<compile_context>
chip_gen: v7x
topology: tpu7x:2x2x1
jax: 0.10.2.dev20260603
libtpu: 0.0.44.dev20260713+nightly
codegen_flags: <defaults>
</compile_context>

<pallas_src>
import functools

import jax
import jax.numpy as jnp
from jax import lax
from jax.experimental import pallas as pl
from jax.experimental.pallas import tpu as pltpu
from jax.experimental.pallas import tpu_sc as plsc

_W_ENERGY = 1.0
_W_FORCE = 0.999

_NC, _NS, _L = 2, 16, 16
_NW = _NC * _NS
_N = 131072
_M = 4096
_APW = _N // _NW
_APS = _N // _NS
_MPW = _M // _NW

_mesh = plsc.VectorSubcoreMesh(core_axis_name="c", subcore_axis_name="s")


@functools.partial(
    pl.kernel,
    out_type=jax.ShapeDtypeStruct((_NC, _L), jnp.float32),
    mesh=_mesh,
    compiler_params=pltpu.CompilerParams(
        needs_layout_passes=False, use_tc_tiling_on_sc=False),
    scratch_types=[
        pltpu.VMEM((_APS,), jnp.int32),
        pltpu.VMEM((_APS,), jnp.float32),
        pltpu.VMEM((_APW,), jnp.float32),
        pltpu.VMEM((_APW,), jnp.float32),
        pltpu.VMEM((_APW,), jnp.float32),
        pltpu.VMEM((_APW,), jnp.float32),
        pltpu.VMEM((_APW,), jnp.float32),
        pltpu.VMEM((_APW,), jnp.float32),
        pltpu.VMEM((_M,), jnp.float32),
        pltpu.VMEM((_MPW,), jnp.float32),
        pltpu.VMEM((_MPW,), jnp.float32),
        pltpu.VMEM((_NS * _L,), jnp.float32),
        pltpu.VMEM((_L,), jnp.float32),
        pltpu.VMEM((_APW,), jnp.float32),
        pltpu.VMEM_SHARED((_M,), jnp.float32),
        pltpu.VMEM_SHARED((_NS * _L,), jnp.float32),
        pltpu.SemaphoreType.DMA,
        pltpu.SemaphoreType.DMA,
    ],
)
def _loss_sc(ep_h, et_h, fpx_h, fpy_h, fpz_h, ftx_h, fty_h, ftz_h, idx_h,
             out_h,
             idx_v, ones_v, fpx_v, fpy_v, fpz_v, ftx_v, fty_v, ftz_v,
             cnt_v, ep_v, et_v, red_v, tmp_v, sq_v,
             counts_sh, parts_sh, sem, sem2):
    cid = lax.axis_index("c")
    sid = lax.axis_index("s")
    w2 = sid * _NC + cid
    abase = w2 * _APW
    mbase = w2 * _MPW

    cp_idx = pltpu.async_copy(idx_h.at[pl.ds(sid * _APS, _APS)], idx_v, sem2)
    cps = [
        pltpu.async_copy(fpx_h.at[pl.ds(abase, _APW)], fpx_v, sem),
        pltpu.async_copy(fpy_h.at[pl.ds(abase, _APW)], fpy_v, sem),
        pltpu.async_copy(fpz_h.at[pl.ds(abase, _APW)], fpz_v, sem),
        pltpu.async_copy(ftx_h.at[pl.ds(abase, _APW)], ftx_v, sem),
        pltpu.async_copy(fty_h.at[pl.ds(abase, _APW)], fty_v, sem),
        pltpu.async_copy(ftz_h.at[pl.ds(abase, _APW)], ftz_v, sem),
        pltpu.async_copy(ep_h.at[pl.ds(mbase, _MPW)], ep_v, sem),
        pltpu.async_copy(et_h.at[pl.ds(mbase, _MPW)], et_v, sem),
    ]

    ones16 = jnp.ones((_L,), jnp.float32)
    zeros16 = jnp.zeros((_L,), jnp.float32)
    iota = lax.iota(jnp.int32, _L)

    @plsc.parallel_loop(0, _APS // _L, unroll=8)
    def _fill_ones(i):
        ones_v[pl.ds(i * _L, _L)] = ones16

    @plsc.parallel_loop(0, _NS, unroll=4)
    def _fill_zero(i):
        red_v[pl.ds(i * _L, _L)] = zeros16

    pltpu.sync_copy(red_v, counts_sh.at[pl.ds(sid * (_M // _NS), _M // _NS)])
    cp_idx.wait()
    plsc.subcore_barrier()
    scatter_cp = pltpu.async_copy(ones_v, counts_sh.at[idx_v], sem2, add=True)
    for cp in cps:
        cp.wait()

    @plsc.parallel_loop(0, _APW // _L, unroll=8)
    def _sq(i):
        a0 = i * _L
        dx = fpx_v[pl.ds(a0, _L)] - ftx_v[pl.ds(a0, _L)]
        dy = fpy_v[pl.ds(a0, _L)] - fty_v[pl.ds(a0, _L)]
        dz = fpz_v[pl.ds(a0, _L)] - ftz_v[pl.ds(a0, _L)]
        sq_v[pl.ds(a0, _L)] = dx * dx + dy * dy + dz * dz

    scatter_cp.wait()
    plsc.subcore_barrier()

    pltpu.sync_copy(counts_sh, cnt_v)

    idx_off = cid * _APW

    @plsc.parallel_loop(0, _APW // _L, unroll=8,
                        carry=jnp.zeros((_L,), jnp.float32))
    def _force(i, acc):
        a0 = i * _L
        iv = idx_v[pl.ds(idx_off + a0, _L)]
        cnt = plsc.load_gather(cnt_v, [iv])
        return acc + sq_v[pl.ds(a0, _L)] / cnt
    f_acc = _force

    @plsc.parallel_loop(0, _MPW // _L, unroll=2,
                        carry=jnp.zeros((_L,), jnp.float32))
    def _energy(j, acc):
        d = ep_v[pl.ds(j * _L, _L)] - et_v[pl.ds(j * _L, _L)]
        c = cnt_v[pl.ds(mbase + j * _L, _L)]
        return acc + d * d / c
    e_acc = _energy

    e_part = jnp.sum(e_acc)
    f_part = jnp.sum(f_acc)
    pv = jnp.where(iota == 0, e_part, jnp.where(iota == 1, f_part, 0.0))
    tmp_v[...] = pv
    pltpu.sync_copy(tmp_v, parts_sh.at[pl.ds(sid * _L, _L)])
    plsc.subcore_barrier()

    @pl.when(sid == 0)
    def _finalize():
        pltpu.sync_copy(parts_sh, red_v)

        def _reduce(s, acc):
            return acc + red_v[pl.ds(s * _L, _L)]
        sums = lax.fori_loop(0, _NS, _reduce, jnp.zeros((_L,), jnp.float32))
        e_b = jnp.sum(jnp.where(iota == 0, sums, 0.0))
        f_b = jnp.sum(jnp.where(iota == 1, sums, 0.0))
        e_loss = e_b * (_W_ENERGY / _M)
        f_loss = f_b * (_W_FORCE / _M)
        tot = e_loss + f_loss
        outv = jnp.where(iota == 0, tot,
                         jnp.where(iota == 1, e_loss,
                                   jnp.where(iota == 2, f_loss, 0.0)))
        tmp_v[...] = outv
        pltpu.sync_copy(tmp_v, out_h.at[cid])


def kernel(per_molecule_energy_predict, per_molecule_energy_true,
           per_atom_force_predict, per_atom_force_true,
           atomic_subsystem_indices):
    fp = per_atom_force_predict
    ft = per_atom_force_true
    out = _loss_sc(
        per_molecule_energy_predict.reshape(_M),
        per_molecule_energy_true.reshape(_M),
        fp[:, 0], fp[:, 1], fp[:, 2],
        ft[:, 0], ft[:, 1], ft[:, 2],
        atomic_subsystem_indices.astype(jnp.int32),
    )
    total = out[0, 0] + out[1, 0]
    e_loss = out[0, 1] + out[1, 1]
    f_loss = out[0, 2] + out[1, 2]
    return (total, e_loss, f_loss)

# --- scband reference (transcript-rebuilt; emitter-appended) ---
"""Pipeline reference for scband-loss-1159641170205 (READ-ONLY COPY).

The authoritative reference and input builder live on the scoring server;
editing this copy changes nothing except your own understanding.
"""

import jax, jax.numpy as jnp
import numpy as np

W_ENERGY = 1.0
W_FORCE = 0.999


def setup_inputs(seed: int = 0) -> dict:
    key = jax.random.key(seed)
    k1, k2, k3, k4, k5 = jax.random.split(key, 5)
    M = 4096
    N = 131072
    return {
        "per_molecule_energy_predict": jax.random.normal(k1, (M, 1), dtype=jnp.float32),
        "per_molecule_energy_true": jax.random.normal(k2, (M, 1), dtype=jnp.float32),
        "per_atom_force_predict": jax.random.normal(k3, (N, 3), dtype=jnp.float32),
        "per_atom_force_true": jax.random.normal(k4, (N, 3), dtype=jnp.float32),
        "atomic_subsystem_indices": jnp.sort(jax.random.randint(k5, (N,), 0, M)),
    }


def reference(per_molecule_energy_predict, per_molecule_energy_true,
              per_atom_force_predict, per_atom_force_true,
              atomic_subsystem_indices):
    M = per_molecule_energy_predict.shape[0]
    # atomic_subsystem_counts derived from indices (number of atoms per molecule)
    counts = jnp.bincount(atomic_subsystem_indices, length=M).astype(per_atom_force_predict.dtype)

    # PerMoleculeMeanSquaredError for energy
    e_sq = jnp.sum((per_molecule_energy_predict - per_molecule_energy_true) ** 2,
                   axis=1, keepdims=True)  # [M, 1]
    e_scaled = e_sq / counts[:, None]
    energy_loss = W_ENERGY * jnp.mean(e_scaled)

    # FromPerAtomToPerMoleculeMeanSquaredError for forces
    f_sq = jnp.sum((per_atom_force_predict - per_atom_force_true) ** 2,
                   axis=1, keepdims=True)  # [N, 1]
    per_mol_f = jax.ops.segment_sum(f_sq, atomic_subsystem_indices, num_segments=M)  # scatter-add
    f_scaled = per_mol_f / counts[:, None]
    force_loss = W_FORCE * jnp.mean(f_scaled)

    total_loss = energy_loss + force_loss
    return (total_loss, energy_loss, force_loss)

if __name__ == "__main__":
    import jax
    _d = setup_inputs()
    print(jax.jit(kernel)(*tuple(_d.values())))

</pallas_src>

<mosaic_0001>
#map = affine_map<(d0, d1) -> (0)>
#map1 = affine_map<(d0, d1) -> (0, 0)>
module attributes {stable_mosaic.version = 14 : i64} {
  func.func @_loss_sc(%arg0: i32, %arg1: i32, %arg2: memref<4096xf32, #tpu.memory_space<hbm>>, %arg3: memref<4096xf32, #tpu.memory_space<hbm>>, %arg4: memref<131072xf32, #tpu.memory_space<hbm>>, %arg5: memref<131072xf32, #tpu.memory_space<hbm>>, %arg6: memref<131072xf32, #tpu.memory_space<hbm>>, %arg7: memref<131072xf32, #tpu.memory_space<hbm>>, %arg8: memref<131072xf32, #tpu.memory_space<hbm>>, %arg9: memref<131072xf32, #tpu.memory_space<hbm>>, %arg10: memref<131072xi32, #tpu.memory_space<hbm>>, %arg11: memref<2x16xf32, #tpu.memory_space<hbm>>, %arg12: memref<8192xi32, #tpu.memory_space<vmem>>, %arg13: memref<8192xf32, #tpu.memory_space<vmem>>, %arg14: memref<4096xf32, #tpu.memory_space<vmem>>, %arg15: memref<4096xf32, #tpu.memory_space<vmem>>, %arg16: memref<4096xf32, #tpu.memory_space<vmem>>, %arg17: memref<4096xf32, #tpu.memory_space<vmem>>, %arg18: memref<4096xf32, #tpu.memory_space<vmem>>, %arg19: memref<4096xf32, #tpu.memory_space<vmem>>, %arg20: memref<4096xf32, #tpu.memory_space<vmem>>, %arg21: memref<128xf32, #tpu.memory_space<vmem>>, %arg22: memref<128xf32, #tpu.memory_space<vmem>>, %arg23: memref<256xf32, #tpu.memory_space<vmem>>, %arg24: memref<16xf32, #tpu.memory_space<vmem>>, %arg25: memref<4096xf32, #tpu.memory_space<vmem>>, %arg26: memref<4096xf32, #tpu.memory_space<vmem_shared>>, %arg27: memref<256xf32, #tpu.memory_space<vmem_shared>>, %arg28: memref<!tpu.dma_semaphore, #tpu.memory_space<semaphore_mem>>, %arg29: memref<!tpu.dma_semaphore, #tpu.memory_space<semaphore_mem>>) attributes {dimension_semantics = [#tpu.dimension_semantics<core_parallel>, #tpu.dimension_semantics<subcore_parallel>], iteration_bounds = array<i64: 2, 16>, scalar_prefetch = 0 : i64, scratch_operands = 18 : i64, tpu.core_type = #tpu.core_type<sc_vector_subcore>, window_params = [{transform_indices = #map}, {transform_indices = #map}, {transform_indices = #map}, {transform_indices = #map}, {transform_indices = #map}, {transform_indices = #map}, {transform_indices = #map}, {transform_indices = #map}, {transform_indices = #map}, {transform_indices = #map1}]} {
    %mul3A = arith.constant 2 : i32
    %mul3A_0 = arith.muli %arg1, %mul3A : i32
    %add3A = arith.addi %mul3A_0, %arg0 : i32
    %mul3A_1 = arith.constant 4096 : i32
    %mul3A_2 = arith.muli %add3A, %mul3A_1 : i32
    %mul3A_3 = arith.constant 128 : i32
    %mul3A_4 = arith.muli %add3A, %mul3A_3 : i32
    %mul3A_5 = arith.constant 8192 : i32
    %mul3A_6 = arith.muli %arg1, %mul3A_5 : i32
    %dma_start3A = tpu.memref_slice %arg10[%mul3A_6] : memref<131072xi32, #tpu.memory_space<hbm>> -> memref<8192xi32, #tpu.memory_space<hbm>>
    %dma_start3A_7 = tpu.memref_slice %arg10[%mul3A_6] : memref<131072xi32, #tpu.memory_space<hbm>> -> memref<8192xi32, #tpu.memory_space<hbm>>
    tpu.enqueue_dma source(%dma_start3A_7 : memref<8192xi32, #tpu.memory_space<hbm>>) target(%arg12 : memref<8192xi32, #tpu.memory_space<vmem>>) target_semaphore(%arg29 : memref<!tpu.dma_semaphore, #tpu.memory_space<semaphore_mem>>)
    %dma_start3A_8 = tpu.memref_slice %arg4[%mul3A_2] : memref<131072xf32, #tpu.memory_space<hbm>> -> memref<4096xf32, #tpu.memory_space<hbm>>
    %dma_start3A_9 = tpu.memref_slice %arg4[%mul3A_2] : memref<131072xf32, #tpu.memory_space<hbm>> -> memref<4096xf32, #tpu.memory_space<hbm>>
    tpu.enqueue_dma source(%dma_start3A_9 : memref<4096xf32, #tpu.memory_space<hbm>>) target(%arg14 : memref<4096xf32, #tpu.memory_space<vmem>>) target_semaphore(%arg28 : memref<!tpu.dma_semaphore, #tpu.memory_space<semaphore_mem>>)
    %dma_start3A_10 = tpu.memref_slice %arg5[%mul3A_2] : memref<131072xf32, #tpu.memory_space<hbm>> -> memref<4096xf32, #tpu.memory_space<hbm>>
    %dma_start3A_11 = tpu.memref_slice %arg5[%mul3A_2] : memref<131072xf32, #tpu.memory_space<hbm>> -> memref<4096xf32, #tpu.memory_space<hbm>>
    tpu.enqueue_dma source(%dma_start3A_11 : memref<4096xf32, #tpu.memory_space<hbm>>) target(%arg15 : memref<4096xf32, #tpu.memory_space<vmem>>) target_semaphore(%arg28 : memref<!tpu.dma_semaphore, #tpu.memory_space<semaphore_mem>>)
    %dma_start3A_12 = tpu.memref_slice %arg6[%mul3A_2] : memref<131072xf32, #tpu.memory_space<hbm>> -> memref<4096xf32, #tpu.memory_space<hbm>>
    %dma_start3A_13 = tpu.memref_slice %arg6[%mul3A_2] : memref<131072xf32, #tpu.memory_space<hbm>> -> memref<4096xf32, #tpu.memory_space<hbm>>
    tpu.enqueue_dma source(%dma_start3A_13 : memref<4096xf32, #tpu.memory_space<hbm>>) target(%arg16 : memref<4096xf32, #tpu.memory_space<vmem>>) target_semaphore(%arg28 : memref<!tpu.dma_semaphore, #tpu.memory_space<semaphore_mem>>)
    %dma_start3A_14 = tpu.memref_slice %arg7[%mul3A_2] : memref<131072xf32, #tpu.memory_space<hbm>> -> memref<4096xf32, #tpu.memory_space<hbm>>
    %dma_start3A_15 = tpu.memref_slice %arg7[%mul3A_2] : memref<131072xf32, #tpu.memory_space<hbm>> -> memref<4096xf32, #tpu.memory_space<hbm>>
    tpu.enqueue_dma source(%dma_start3A_15 : memref<4096xf32, #tpu.memory_space<hbm>>) target(%arg17 : memref<4096xf32, #tpu.memory_space<vmem>>) target_semaphore(%arg28 : memref<!tpu.dma_semaphore, #tpu.memory_space<semaphore_mem>>)
    %dma_start3A_16 = tpu.memref_slice %arg8[%mul3A_2] : memref<131072xf32, #tpu.memory_space<hbm>> -> memref<4096xf32, #tpu.memory_space<hbm>>
    %dma_start3A_17 = tpu.memref_slice %arg8[%mul3A_2] : memref<131072xf32, #tpu.memory_space<hbm>> -> memref<4096xf32, #tpu.memory_space<hbm>>
    tpu.enqueue_dma source(%dma_start3A_17 : memref<4096xf32, #tpu.memory_space<hbm>>) target(%arg18 : memref<4096xf32, #tpu.memory_space<vmem>>) target_semaphore(%arg28 : memref<!tpu.dma_semaphore, #tpu.memory_space<semaphore_mem>>)
    %dma_start3A_18 = tpu.memref_slice %arg9[%mul3A_2] : memref<131072xf32, #tpu.memory_space<hbm>> -> memref<4096xf32, #tpu.memory_space<hbm>>
    %dma_start3A_19 = tpu.memref_slice %arg9[%mul3A_2] : memref<131072xf32, #tpu.memory_space<hbm>> -> memref<4096xf32, #tpu.memory_space<hbm>>
    tpu.enqueue_dma source(%dma_start3A_19 : memref<4096xf32, #tpu.memory_space<hbm>>) target(%arg19 : memref<4096xf32, #tpu.memory_space<vmem>>) target_semaphore(%arg28 : memref<!tpu.dma_semaphore, #tpu.memory_space<semaphore_mem>>)
    %dma_start3A_20 = tpu.memref_slice %arg2[%mul3A_4] : memref<4096xf32, #tpu.memory_space<hbm>> -> memref<128xf32, #tpu.memory_space<hbm>>
    %dma_start3A_21 = tpu.memref_slice %arg2[%mul3A_4] : memref<4096xf32, #tpu.memory_space<hbm>> -> memref<128xf32, #tpu.memory_space<hbm>>
    tpu.enqueue_dma source(%dma_start3A_21 : memref<128xf32, #tpu.memory_space<hbm>>) target(%arg21 : memref<128xf32, #tpu.memory_space<vmem>>) target_semaphore(%arg28 : memref<!tpu.dma_semaphore, #tpu.memory_space<semaphore_mem>>)
    %dma_start3A_22 = tpu.memref_slice %arg3[%mul3A_4] : memref<4096xf32, #tpu.memory_space<hbm>> -> memref<128xf32, #tpu.memory_space<hbm>>
    %dma_start3A_23 = tpu.memref_slice %arg3[%mul3A_4] : memref<4096xf32, #tpu.memory_space<hbm>> -> memref<128xf32, #tpu.memory_space<hbm>>
    tpu.enqueue_dma source(%dma_start3A_23 : memref<128xf32, #tpu.memory_space<hbm>>) target(%arg22 : memref<128xf32, #tpu.memory_space<vmem>>) target_semaphore(%arg28 : memref<!tpu.dma_semaphore, #tpu.memory_space<semaphore_mem>>)
    %broadcast_in_dim3A = arith.constant 1.000000e+00 : f32
    %broadcast_in_dim3A_24 = vector.broadcast %broadcast_in_dim3A : f32 to vector<16xf32>
    %broadcast_in_dim3A_25 = arith.constant 0.000000e+00 : f32
    %broadcast_in_dim3A_26 = vector.broadcast %broadcast_in_dim3A_25 : f32 to vector<16xf32>
    %iota3A = tpu.iota {dimensions = array<i32: 0>} : vector<16xi32>
    %parallel_loop3A = arith.constant 0 : i32
    %parallel_loop3A_27 = arith.constant 512 : i32
    %parallel_loop3A_28 = arith.constant 1 : i32
    scf.for %parallel_loop3A_96 = %parallel_loop3A to %parallel_loop3A_27 step %parallel_loop3A_28  : i32 {
      %parallel_loop3A_97 = arith.constant 16 : i32
      %parallel_loop3A_98 = arith.muli %parallel_loop3A_96, %parallel_loop3A_97 : i32
      %parallel_loop3A_99 = arith.index_cast %parallel_loop3A_98 : i32 to index
      %parallel_loop3A_100 = tpu.vector_load %arg13[%parallel_loop3A_99] {strides = array<i32>} : memref<8192xf32, #tpu.memory_space<vmem>>, vector<16xf32>,
      tpu.vector_store %arg13[%parallel_loop3A_99], %broadcast_in_dim3A_24 {strides = array<i32>} : memref<8192xf32, #tpu.memory_space<vmem>>, vector<16xf32>,
    } {sc.loop_unroll_factor = 8 : i64, sc.parallel_access}
    %parallel_loop3A_29 = arith.constant 0 : i32
    %parallel_loop3A_30 = arith.constant 16 : i32
    %parallel_loop3A_31 = arith.constant 1 : i32
    scf.for %parallel_loop3A_96 = %parallel_loop3A_29 to %parallel_loop3A_30 step %parallel_loop3A_31  : i32 {
      %parallel_loop3A_97 = arith.constant 16 : i32
      %parallel_loop3A_98 = arith.muli %parallel_loop3A_96, %parallel_loop3A_97 : i32
      %parallel_loop3A_99 = arith.index_cast %parallel_loop3A_98 : i32 to index
      %parallel_loop3A_100 = tpu.vector_load %arg23[%parallel_loop3A_99] {strides = array<i32>} : memref<256xf32, #tpu.memory_space<vmem>>, vector<16xf32>,
      tpu.vector_store %arg23[%parallel_loop3A_99], %broadcast_in_dim3A_26 {strides = array<i32>} : memref<256xf32, #tpu.memory_space<vmem>>, vector<16xf32>,
    } {sc.loop_unroll_factor = 4 : i64, sc.parallel_access}
    %mul3A_32 = arith.constant 256 : i32
    %mul3A_33 = arith.muli %arg1, %mul3A_32 : i32
    "tpu.region"() ({
      %run_scoped3A = tpu.sem_alloc : memref<!tpu.dma_semaphore, #tpu.memory_space<semaphore_mem>>
      %dma_start3A_96 = tpu.memref_slice %arg26[%mul3A_33] : memref<4096xf32, #tpu.memory_space<vmem_shared>> -> memref<256xf32, #tpu.memory_space<vmem_shared>>
      %dma_start3A_97 = tpu.memref_slice %arg26[%mul3A_33] : memref<4096xf32, #tpu.memory_space<vmem_shared>> -> memref<256xf32, #tpu.memory_space<vmem_shared>>
      tpu.enqueue_dma source(%arg23 : memref<256xf32, #tpu.memory_space<vmem>>) target(%dma_start3A_97 : memref<256xf32, #tpu.memory_space<vmem_shared>>) target_semaphore(%run_scoped3A : memref<!tpu.dma_semaphore, #tpu.memory_space<semaphore_mem>>)
      %dma_wait3A_98 = tpu.memref_slice %arg26[%mul3A_33] : memref<4096xf32, #tpu.memory_space<vmem_shared>> -> memref<256xf32, #tpu.memory_space<vmem_shared>>
      %dma_wait3A_99 = tpu.memref_slice %arg26[%mul3A_33] : memref<4096xf32, #tpu.memory_space<vmem_shared>> -> memref<256xf32, #tpu.memory_space<vmem_shared>>
      tpu.wait_dma2 semaphore(%run_scoped3A : memref<!tpu.dma_semaphore, #tpu.memory_space<semaphore_mem>>) src(%arg23 : memref<256xf32, #tpu.memory_space<vmem>>) dst(%dma_wait3A_99 : memref<256xf32, #tpu.memory_space<vmem_shared>>)
      tpu.yield
    }) : () -> ()
    %dma_wait3A = tpu.memref_slice %arg10[%mul3A_6] : memref<131072xi32, #tpu.memory_space<hbm>> -> memref<8192xi32, #tpu.memory_space<hbm>>
    %dma_wait3A_34 = tpu.memref_slice %arg10[%mul3A_6] : memref<131072xi32, #tpu.memory_space<hbm>> -> memref<8192xi32, #tpu.memory_space<hbm>>
    tpu.wait_dma2 semaphore(%arg29 : memref<!tpu.dma_semaphore, #tpu.memory_space<semaphore_mem>>) src(%dma_wait3A_34 : memref<8192xi32, #tpu.memory_space<hbm>>) dst(%arg12 : memref<8192xi32, #tpu.memory_space<vmem>>)
    %barrier3A = arith.constant 0 : index
    tpu.barrier barrier_id(%barrier3A)
    %dma_start3A_35 = arith.constant 0 : i32
    %dma_start3A_36 = tpu.memref_slice %arg26[%dma_start3A_35] : memref<4096xf32, #tpu.memory_space<vmem_shared>> -> memref<4096xf32, #tpu.memory_space<vmem_shared>>
    tpu.enqueue_indirect_dma source(%arg13 : memref<8192xf32, #tpu.memory_space<vmem>>) target(%dma_start3A_36 : memref<4096xf32, #tpu.memory_space<vmem_shared>>) offsets(%arg12 : memref<8192xi32, #tpu.memory_space<vmem>>) semaphore(%arg29 : memref<!tpu.dma_semaphore, #tpu.memory_space<semaphore_mem>>) {add = true}
    %dma_wait3A_37 = tpu.memref_slice %arg4[%mul3A_2] : memref<131072xf32, #tpu.memory_space<hbm>> -> memref<4096xf32, #tpu.memory_space<hbm>>
    %dma_wait3A_38 = tpu.memref_slice %arg4[%mul3A_2] : memref<131072xf32, #tpu.memory_space<hbm>> -> memref<4096xf32, #tpu.memory_space<hbm>>
    tpu.wait_dma2 semaphore(%arg28 : memref<!tpu.dma_semaphore, #tpu.memory_space<semaphore_mem>>) src(%dma_wait3A_38 : memref<4096xf32, #tpu.memory_space<hbm>>) dst(%arg14 : memref<4096xf32, #tpu.memory_space<vmem>>)
    %dma_wait3A_39 = tpu.memref_slice %arg5[%mul3A_2] : memref<131072xf32, #tpu.memory_space<hbm>> -> memref<4096xf32, #tpu.memory_space<hbm>>
    %dma_wait3A_40 = tpu.memref_slice %arg5[%mul3A_2] : memref<131072xf32, #tpu.memory_space<hbm>> -> memref<4096xf32, #tpu.memory_space<hbm>>
    tpu.wait_dma2 semaphore(%arg28 : memref<!tpu.dma_semaphore, #tpu.memory_space<semaphore_mem>>) src(%dma_wait3A_40 : memref<4096xf32, #tpu.memory_space<hbm>>) dst(%arg15 : memref<4096xf32, #tpu.memory_space<vmem>>)
    %dma_wait3A_41 = tpu.memref_slice %arg6[%mul3A_2] : memref<131072xf32, #tpu.memory_space<hbm>> -> memref<4096xf32, #tpu.memory_space<hbm>>
    %dma_wait3A_42 = tpu.memref_slice %arg6[%mul3A_2] : memref<131072xf32, #tpu.memory_space<hbm>> -> memref<4096xf32, #tpu.memory_space<hbm>>
    tpu.wait_dma2 semaphore(%arg28 : memref<!tpu.dma_semaphore, #tpu.memory_space<semaphore_mem>>) src(%dma_wait3A_42 : memref<4096xf32, #tpu.memory_space<hbm>>) dst(%arg16 : memref<4096xf32, #tpu.memory_space<vmem>>)
    %dma_wait3A_43 = tpu.memref_slice %arg7[%mul3A_2] : memref<131072xf32, #tpu.memory_space<hbm>> -> memref<4096xf32, #tpu.memory_space<hbm>>
    %dma_wait3A_44 = tpu.memref_slice %arg7[%mul3A_2] : memref<131072xf32, #tpu.memory_space<hbm>> -> memref<4096xf32, #tpu.memory_space<hbm>>
    tpu.wait_dma2 semaphore(%arg28 : memref<!tpu.dma_semaphore, #tpu.memory_space<semaphore_mem>>) src(%dma_wait3A_44 : memref<4096xf32, #tpu.memory_space<hbm>>) dst(%arg17 : memref<4096xf32, #tpu.memory_space<vmem>>)
    %dma_wait3A_45 = tpu.memref_slice %arg8[%mul3A_2] : memref<131072xf32, #tpu.memory_space<hbm>> -> memref<4096xf32, #tpu.memory_space<hbm>>
    %dma_wait3A_46 = tpu.memref_slice %arg8[%mul3A_2] : memref<131072xf32, #tpu.memory_space<hbm>> -> memref<4096xf32, #tpu.memory_space<hbm>>
    tpu.wait_dma2 semaphore(%arg28 : memref<!tpu.dma_semaphore, #tpu.memory_space<semaphore_mem>>) src(%dma_wait3A_46 : memref<4096xf32, #tpu.memory_space<hbm>>) dst(%arg18 : memref<4096xf32, #tpu.memory_space<vmem>>)
    %dma_wait3A_47 = tpu.memref_slice %arg9[%mul3A_2] : memref<131072xf32, #tpu.memory_space<hbm>> -> memref<4096xf32, #tpu.memory_space<hbm>>
    %dma_wait3A_48 = tpu.memref_slice %arg9[%mul3A_2] : memref<131072xf32, #tpu.memory_space<hbm>> -> memref<4096xf32, #tpu.memory_space<hbm>>
    tpu.wait_dma2 semaphore(%arg28 : memref<!tpu.dma_semaphore, #tpu.memory_space<semaphore_mem>>) src(%dma_wait3A_48 : memref<4096xf32, #tpu.memory_space<hbm>>) dst(%arg19 : memref<4096xf32, #tpu.memory_space<vmem>>)
    %dma_wait3A_49 = tpu.memref_slice %arg2[%mul3A_4] : memref<4096xf32, #tpu.memory_space<hbm>> -> memref<128xf32, #tpu.memory_space<hbm>>
    %dma_wait3A_50 = tpu.memref_slice %arg2[%mul3A_4] : memref<4096xf32, #tpu.memory_space<hbm>> -> memref<128xf32, #tpu.memory_space<hbm>>
    tpu.wait_dma2 semaphore(%arg28 : memref<!tpu.dma_semaphore, #tpu.memory_space<semaphore_mem>>) src(%dma_wait3A_50 : memref<128xf32, #tpu.memory_space<hbm>>) dst(%arg21 : memref<128xf32, #tpu.memory_space<vmem>>)
    %dma_wait3A_51 = tpu.memref_slice %arg3[%mul3A_4] : memref<4096xf32, #tpu.memory_space<hbm>> -> memref<128xf32, #tpu.memory_space<hbm>>
    %dma_wait3A_52 = tpu.memref_slice %arg3[%mul3A_4] : memref<4096xf32, #tpu.memory_space<hbm>> -> memref<128xf32, #tpu.memory_space<hbm>>
    tpu.wait_dma2 semaphore(%arg28 : memref<!tpu.dma_semaphore, #tpu.memory_space<semaphore_mem>>) src(%dma_wait3A_52 : memref<128xf32, #tpu.memory_space<hbm>>) dst(%arg22 : memref<128xf32, #tpu.memory_space<vmem>>)
    %parallel_loop3A_53 = arith.constant 0 : i32
    %parallel_loop3A_54 = arith.constant 256 : i32
    %parallel_loop3A_55 = arith.constant 1 : i32
    scf.for %parallel_loop3A_96 = %parallel_loop3A_53 to %parallel_loop3A_54 step %parallel_loop3A_55  : i32 {
      %parallel_loop3A_97 = arith.constant 16 : i32
      %parallel_loop3A_98 = arith.muli %parallel_loop3A_96, %parallel_loop3A_97 : i32
      %parallel_loop3A_99 = arith.index_cast %parallel_loop3A_98 : i32 to index
      %parallel_loop3A_100 = tpu.vector_load %arg14[%parallel_loop3A_99] {strides = array<i32>} : memref<4096xf32, #tpu.memory_space<vmem>>, vector<16xf32>,
      %parallel_loop3A_101 = arith.index_cast %parallel_loop3A_98 : i32 to index
      %parallel_loop3A_102 = tpu.vector_load %arg17[%parallel_loop3A_101] {strides = array<i32>} : memref<4096xf32, #tpu.memory_space<vmem>>, vector<16xf32>,
      %parallel_loop3A_103 = arith.subf %parallel_loop3A_100, %parallel_loop3A_102 : vector<16xf32>
      %parallel_loop3A_104 = arith.index_cast %parallel_loop3A_98 : i32 to index
      %parallel_loop3A_105 = tpu.vector_load %arg15[%parallel_loop3A_104] {strides = array<i32>} : memref<4096xf32, #tpu.memory_space<vmem>>, vector<16xf32>,
      %parallel_loop3A_106 = arith.index_cast %parallel_loop3A_98 : i32 to index
      %parallel_loop3A_107 = tpu.vector_load %arg18[%parallel_loop3A_106] {strides = array<i32>} : memref<4096xf32, #tpu.memory_space<vmem>>, vector<16xf32>,
      %parallel_loop3A_108 = arith.subf %parallel_loop3A_105, %parallel_loop3A_107 : vector<16xf32>
      %parallel_loop3A_109 = arith.index_cast %parallel_loop3A_98 : i32 to index
      %parallel_loop3A_110 = tpu.vector_load %arg16[%parallel_loop3A_109] {strides = array<i32>} : memref<4096xf32, #tpu.memory_space<vmem>>, vector<16xf32>,
      %parallel_loop3A_111 = arith.index_cast %parallel_loop3A_98 : i32 to index
      %parallel_loop3A_112 = tpu.vector_load %arg19[%parallel_loop3A_111] {strides = array<i32>} : memref<4096xf32, #tpu.memory_space<vmem>>, vector<16xf32>,
      %parallel_loop3A_113 = arith.subf %parallel_loop3A_110, %parallel_loop3A_112 : vector<16xf32>
      %parallel_loop3A_114 = arith.mulf %parallel_loop3A_103, %parallel_loop3A_103 : vector<16xf32>
      %parallel_loop3A_115 = arith.mulf %parallel_loop3A_108, %parallel_loop3A_108 : vector<16xf32>
      %parallel_loop3A_116 = arith.addf %parallel_loop3A_114, %parallel_loop3A_115 : vector<16xf32>
      %parallel_loop3A_117 = arith.mulf %parallel_loop3A_113, %parallel_loop3A_113 : vector<16xf32>
      %parallel_loop3A_118 = arith.addf %parallel_loop3A_116, %parallel_loop3A_117 : vector<16xf32>
      %parallel_loop3A_119 = arith.index_cast %parallel_loop3A_98 : i32 to index
      %parallel_loop3A_120 = tpu.vector_load %arg25[%parallel_loop3A_119] {strides = array<i32>} : memref<4096xf32, #tpu.memory_space<vmem>>, vector<16xf32>,
      tpu.vector_store %arg25[%parallel_loop3A_119], %parallel_loop3A_118 {strides = array<i32>} : memref<4096xf32, #tpu.memory_space<vmem>>, vector<16xf32>,
    } {sc.loop_unroll_factor = 8 : i64, sc.parallel_access}
    %dma_wait3A_56 = arith.constant 0 : i32
    %dma_wait3A_57 = tpu.memref_slice %arg26[%dma_wait3A_56] : memref<4096xf32, #tpu.memory_space<vmem_shared>> -> memref<4096xf32, #tpu.memory_space<vmem_shared>>
    tpu.wait_indirect_dma semaphore(%arg29 : memref<!tpu.dma_semaphore, #tpu.memory_space<semaphore_mem>>) src(%arg13 : memref<8192xf32, #tpu.memory_space<vmem>>) dst(%dma_wait3A_57 : memref<4096xf32, #tpu.memory_space<vmem_shared>>)
    %barrier3A_58 = arith.constant 0 : index
    tpu.barrier barrier_id(%barrier3A_58)
    "tpu.region"() ({
      %run_scoped3A = tpu.sem_alloc : memref<!tpu.dma_semaphore, #tpu.memory_space<semaphore_mem>>
      tpu.enqueue_dma source(%arg26 : memref<4096xf32, #tpu.memory_space<vmem_shared>>) target(%arg20 : memref<4096xf32, #tpu.memory_space<vmem>>) target_semaphore(%run_scoped3A : memref<!tpu.dma_semaphore, #tpu.memory_space<semaphore_mem>>)
      tpu.wait_dma2 semaphore(%run_scoped3A : memref<!tpu.dma_semaphore, #tpu.memory_space<semaphore_mem>>) src(%arg26 : memref<4096xf32, #tpu.memory_space<vmem_shared>>) dst(%arg20 : memref<4096xf32, #tpu.memory_space<vmem>>)
      tpu.yield
    }) : () -> ()
    %mul3A_59 = arith.constant 4096 : i32
    %mul3A_60 = arith.muli %arg0, %mul3A_59 : i32
    %broadcast_in_dim3A_61 = arith.constant 0.000000e+00 : f32
    %broadcast_in_dim3A_62 = vector.broadcast %broadcast_in_dim3A_61 : f32 to vector<16xf32>
    %parallel_loop3A_63 = arith.constant 0 : i32
    %parallel_loop3A_64 = arith.constant 256 : i32
    %parallel_loop3A_65 = arith.constant 1 : i32
    %parallel_loop3A_66 = scf.for %parallel_loop3A_96 = %parallel_loop3A_63 to %parallel_loop3A_64 step %parallel_loop3A_65 iter_args(%parallel_loop3A_97 = %broadcast_in_dim3A_62) -> (vector<16xf32>)  : i32 {
      %parallel_loop3A_98 = arith.constant 16 : i32
      %parallel_loop3A_99 = arith.muli %parallel_loop3A_96, %parallel_loop3A_98 : i32
      %parallel_loop3A_100 = arith.addi %mul3A_60, %parallel_loop3A_99 : i32
      %parallel_loop3A_101 = arith.index_cast %parallel_loop3A_100 : i32 to index
      %parallel_loop3A_102 = tpu.vector_load %arg12[%parallel_loop3A_101] {strides = array<i32>} : memref<8192xi32, #tpu.memory_space<vmem>>, vector<16xi32>,
      %parallel_loop3A_103 = tpu.vector_load_idx %arg20[%parallel_loop3A_102] : memref<4096xf32, #tpu.memory_space<vmem>>[vector<16xi32>], vector<16xf32>,
      %parallel_loop3A_104 = arith.index_cast %parallel_loop3A_99 : i32 to index
      %parallel_loop3A_105 = tpu.vector_load %arg25[%parallel_loop3A_104] {strides = array<i32>} : memref<4096xf32, #tpu.memory_space<vmem>>, vector<16xf32>,
      %parallel_loop3A_106 = arith.divf %parallel_loop3A_105, %parallel_loop3A_103 : vector<16xf32>
      %parallel_loop3A_107 = arith.addf %parallel_loop3A_97, %parallel_loop3A_106 : vector<16xf32>
      scf.yield %parallel_loop3A_107 : vector<16xf32>
    } {sc.loop_unroll_factor = 8 : i64, sc.parallel_access}
    %broadcast_in_dim3A_67 = arith.constant 0.000000e+00 : f32
    %broadcast_in_dim3A_68 = vector.broadcast %broadcast_in_dim3A_67 : f32 to vector<16xf32>
    %parallel_loop3A_69 = arith.constant 0 : i32
    %parallel_loop3A_70 = arith.constant 8 : i32
    %parallel_loop3A_71 = arith.constant 1 : i32
    %parallel_loop3A_72 = scf.for %parallel_loop3A_96 = %parallel_loop3A_69 to %parallel_loop3A_70 step %parallel_loop3A_71 iter_args(%parallel_loop3A_97 = %broadcast_in_dim3A_68) -> (vector<16xf32>)  : i32 {
      %parallel_loop3A_98 = arith.constant 16 : i32
      %parallel_loop3A_99 = arith.muli %parallel_loop3A_96, %parallel_loop3A_98 : i32
      %parallel_loop3A_100 = arith.index_cast %parallel_loop3A_99 : i32 to index
      %parallel_loop3A_101 = tpu.vector_load %arg21[%parallel_loop3A_100] {strides = array<i32>} : memref<128xf32, #tpu.memory_space<vmem>>, vector<16xf32>,
      %parallel_loop3A_102 = arith.constant 16 : i32
      %parallel_loop3A_103 = arith.muli %parallel_loop3A_96, %parallel_loop3A_102 : i32
      %parallel_loop3A_104 = arith.index_cast %parallel_loop3A_103 : i32 to index
      %parallel_loop3A_105 = tpu.vector_load %arg22[%parallel_loop3A_104] {strides = array<i32>} : memref<128xf32, #tpu.memory_space<vmem>>, vector<16xf32>,
      %parallel_loop3A_106 = arith.subf %parallel_loop3A_101, %parallel_loop3A_105 : vector<16xf32>
      %parallel_loop3A_107 = arith.constant 16 : i32
      %parallel_loop3A_108 = arith.muli %parallel_loop3A_96, %parallel_loop3A_107 : i32
      %parallel_loop3A_109 = arith.addi %mul3A_4, %parallel_loop3A_108 : i32
      %parallel_loop3A_110 = arith.index_cast %parallel_loop3A_109 : i32 to index
      %parallel_loop3A_111 = tpu.vector_load %arg20[%parallel_loop3A_110] {strides = array<i32>} : memref<4096xf32, #tpu.memory_space<vmem>>, vector<16xf32>,
      %parallel_loop3A_112 = arith.mulf %parallel_loop3A_106, %parallel_loop3A_106 : vector<16xf32>
      %parallel_loop3A_113 = arith.divf %parallel_loop3A_112, %parallel_loop3A_111 : vector<16xf32>
      %parallel_loop3A_114 = arith.addf %parallel_loop3A_97, %parallel_loop3A_113 : vector<16xf32>
      scf.yield %parallel_loop3A_114 : vector<16xf32>
    } {sc.loop_unroll_factor = 2 : i64, sc.parallel_access}
    %reduce_sum3A = arith.constant true
    %reduce_sum3A_73 = vector.broadcast %reduce_sum3A : i1 to vector<16xi1>
    %reduce_sum3A_74 = tpu.scan <sum>, %parallel_loop3A_72 masked %reduce_sum3A_73 : vector<16xf32>, vector<16xi1> -> vector<16xf32>
    %reduce_sum3A_75 = vector.extract %reduce_sum3A_74[15] : f32 from vector<16xf32>
    %reduce_sum3A_76 = arith.constant true
    %reduce_sum3A_77 = vector.broadcast %reduce_sum3A_76 : i1 to vector<16xi1>
    %reduce_sum3A_78 = tpu.scan <sum>, %parallel_loop3A_66 masked %reduce_sum3A_77 : vector<16xf32>, vector<16xi1> -> vector<16xf32>
    %reduce_sum3A_79 = vector.extract %reduce_sum3A_78[15] : f32 from vector<16xf32>
    %eq3A = arith.constant 0 : i32
    %eq3A_80 = vector.broadcast %eq3A : i32 to vector<16xi32>
    %eq3A_81 = arith.cmpi eq, %iota3A, %eq3A_80 : vector<16xi32>
    %eq3A_82 = arith.constant 1 : i32
    %eq3A_83 = vector.broadcast %eq3A_82 : i32 to vector<16xi32>
    %eq3A_84 = arith.cmpi eq, %iota3A, %eq3A_83 : vector<16xi32>
    %jit3A = arith.constant 0.000000e+00 : f32
    %broadcast_in_dim3A_85 = vector.broadcast %reduce_sum3A_79 : f32 to vector<16xf32>
    %broadcast_in_dim3A_86 = vector.broadcast %jit3A : f32 to vector<16xf32>
    %select_n3A = arith.select %eq3A_84, %broadcast_in_dim3A_85, %broadcast_in_dim3A_86 : vector<16xi1>, vector<16xf32>
    %broadcast_in_dim3A_87 = vector.broadcast %reduce_sum3A_75 : f32 to vector<16xf32>
    %select_n3A_88 = arith.select %eq3A_81, %broadcast_in_dim3A_87, %select_n3A : vector<16xi1>, vector<16xf32>
    %swap3A = arith.constant 0 : index
    %swap3A_89 = tpu.vector_load %arg24[%swap3A] {strides = array<i32>} : memref<16xf32, #tpu.memory_space<vmem>>, vector<16xf32>,
    tpu.vector_store %arg24[%swap3A], %select_n3A_88 {strides = array<i32>} : memref<16xf32, #tpu.memory_space<vmem>>, vector<16xf32>,
    %mul3A_90 = arith.constant 16 : i32
    %mul3A_91 = arith.muli %arg1, %mul3A_90 : i32
    "tpu.region"() ({
      %run_scoped3A = tpu.sem_alloc : memref<!tpu.dma_semaphore, #tpu.memory_space<semaphore_mem>>
      %dma_start3A_96 = tpu.memref_slice %arg27[%mul3A_91] : memref<256xf32, #tpu.memory_space<vmem_shared>> -> memref<16xf32, #tpu.memory_space<vmem_shared>>
      %dma_start3A_97 = tpu.memref_slice %arg27[%mul3A_91] : memref<256xf32, #tpu.memory_space<vmem_shared>> -> memref<16xf32, #tpu.memory_space<vmem_shared>>
      tpu.enqueue_dma source(%arg24 : memref<16xf32, #tpu.memory_space<vmem>>) target(%dma_start3A_97 : memref<16xf32, #tpu.memory_space<vmem_shared>>) target_semaphore(%run_scoped3A : memref<!tpu.dma_semaphore, #tpu.memory_space<semaphore_mem>>)
      %dma_wait3A_98 = tpu.memref_slice %arg27[%mul3A_91] : memref<256xf32, #tpu.memory_space<vmem_shared>> -> memref<16xf32, #tpu.memory_space<vmem_shared>>
      %dma_wait3A_99 = tpu.memref_slice %arg27[%mul3A_91] : memref<256xf32, #tpu.memory_space<vmem_shared>> -> memref<16xf32, #tpu.memory_space<vmem_shared>>
      tpu.wait_dma2 semaphore(%run_scoped3A : memref<!tpu.dma_semaphore, #tpu.memory_space<semaphore_mem>>) src(%arg24 : memref<16xf32, #tpu.memory_space<vmem>>) dst(%dma_wait3A_99 : memref<16xf32, #tpu.memory_space<vmem_shared>>)
      tpu.yield
    }) : () -> ()
    %barrier3A_92 = arith.constant 0 : index
    tpu.barrier barrier_id(%barrier3A_92)
    %eq3A_93 = arith.constant 0 : i32
    %eq3A_94 = arith.cmpi eq, %arg1, %eq3A_93 : i32
    %convert_element_type3A = arith.extui %eq3A_94 : i1 to i32
    %cond3A = arith.constant 0 : i32
    %cond3A_95 = arith.cmpi ne, %convert_element_type3A, %cond3A : i32
    scf.if %cond3A_95 {
      "tpu.region"() ({
        %run_scoped3A = tpu.sem_alloc : memref<!tpu.dma_semaphore, #tpu.memory_space<semaphore_mem>>
        tpu.enqueue_dma source(%arg27 : memref<256xf32, #tpu.memory_space<vmem_shared>>) target(%arg23 : memref<256xf32, #tpu.memory_space<vmem>>) target_semaphore(%run_scoped3A : memref<!tpu.dma_semaphore, #tpu.memory_space<semaphore_mem>>)
        tpu.wait_dma2 semaphore(%run_scoped3A : memref<!tpu.dma_semaphore, #tpu.memory_space<semaphore_mem>>) src(%arg27 : memref<256xf32, #tpu.memory_space<vmem_shared>>) dst(%arg23 : memref<256xf32, #tpu.memory_space<vmem>>)
        tpu.yield
      }) : () -> ()
      %broadcast_in_dim3A_96 = arith.constant 0.000000e+00 : f32
      %broadcast_in_dim3A_97 = vector.broadcast %broadcast_in_dim3A_96 : f32 to vector<16xf32>
      %scan3A = arith.constant 0 : i32
      %scan3A_98 = arith.constant 16 : i32
      %scan3A_99 = arith.addi %scan3A, %scan3A_98 : i32
      %scan3A_100 = arith.constant 1 : i32
      %scan3A_101 = scf.for %scan3A_147 = %scan3A to %scan3A_99 step %scan3A_100 iter_args(%scan3A_148 = %broadcast_in_dim3A_97) -> (vector<16xf32>)  : i32 {
        %mul3A_149 = arith.constant 16 : i32
        %mul3A_150 = arith.muli %scan3A_147, %mul3A_149 : i32
        %get3A = arith.index_cast %mul3A_150 : i32 to index
        %get3A_151 = tpu.vector_load %arg23[%get3A] {strides = array<i32>} : memref<256xf32, #tpu.memory_space<vmem>>, vector<16xf32>,
        %add3A_152 = arith.addf %scan3A_148, %get3A_151 : vector<16xf32>
        scf.yield %add3A_152 : vector<16xf32>
      }
      %scan3A_102 = arith.constant 16 : i32
      %eq3A_103 = arith.constant 0 : i32
      %eq3A_104 = vector.broadcast %eq3A_103 : i32 to vector<16xi32>
      %eq3A_105 = arith.cmpi eq, %iota3A, %eq3A_104 : vector<16xi32>
      %jit3A_106 = arith.constant 0.000000e+00 : f32
      %broadcast_in_dim3A_107 = vector.broadcast %jit3A_106 : f32 to vector<16xf32>
      %select_n3A_108 = arith.select %eq3A_105, %scan3A_101, %broadcast_in_dim3A_107 : vector<16xi1>, vector<16xf32>
      %reduce_sum3A_109 = arith.constant true
      %reduce_sum3A_110 = vector.broadcast %reduce_sum3A_109 : i1 to vector<16xi1>
      %reduce_sum3A_111 = tpu.scan <sum>, %select_n3A_108 masked %reduce_sum3A_110 : vector<16xf32>, vector<16xi1> -> vector<16xf32>
      %reduce_sum3A_112 = vector.extract %reduce_sum3A_111[15] : f32 from vector<16xf32>
      %eq3A_113 = arith.constant 1 : i32
      %eq3A_114 = vector.broadcast %eq3A_113 : i32 to vector<16xi32>
      %eq3A_115 = arith.cmpi eq, %iota3A, %eq3A_114 : vector<16xi32>
      %jit3A_116 = arith.constant 0.000000e+00 : f32
      %broadcast_in_dim3A_117 = vector.broadcast %jit3A_116 : f32 to vector<16xf32>
      %select_n3A_118 = arith.select %eq3A_115, %scan3A_101, %broadcast_in_dim3A_117 : vector<16xi1>, vector<16xf32>
      %reduce_sum3A_119 = arith.constant true
      %reduce_sum3A_120 = vector.broadcast %reduce_sum3A_119 : i1 to vector<16xi1>
      %reduce_sum3A_121 = tpu.scan <sum>, %select_n3A_118 masked %reduce_sum3A_120 : vector<16xf32>, vector<16xi1> -> vector<16xf32>
      %reduce_sum3A_122 = vector.extract %reduce_sum3A_121[15] : f32 from vector<16xf32>
      %mul3A_123 = arith.constant 2.44140625E-4 : f32
      %mul3A_124 = arith.mulf %reduce_sum3A_112, %mul3A_123 : f32
      %mul3A_125 = arith.constant 2.43896488E-4 : f32
      %mul3A_126 = arith.mulf %reduce_sum3A_122, %mul3A_125 : f32
      %add3A_127 = arith.addf %mul3A_124, %mul3A_126 : f32
      %eq3A_128 = arith.constant 0 : i32
      %eq3A_129 = vector.broadcast %eq3A_128 : i32 to vector<16xi32>
      %eq3A_130 = arith.cmpi eq, %iota3A, %eq3A_129 : vector<16xi32>
      %eq3A_131 = arith.constant 1 : i32
      %eq3A_132 = vector.broadcast %eq3A_131 : i32 to vector<16xi32>
      %eq3A_133 = arith.cmpi eq, %iota3A, %eq3A_132 : vector<16xi32>
      %eq3A_134 = arith.constant 2 : i32
      %eq3A_135 = vector.broadcast %eq3A_134 : i32 to vector<16xi32>
      %eq3A_136 = arith.cmpi eq, %iota3A, %eq3A_135 : vector<16xi32>
      %jit3A_137 = arith.constant 0.000000e+00 : f32
      %broadcast_in_dim3A_138 = vector.broadcast %mul3A_126 : f32 to vector<16xf32>
      %broadcast_in_dim3A_139 = vector.broadcast %jit3A_137 : f32 to vector<16xf32>
      %select_n3A_140 = arith.select %eq3A_136, %broadcast_in_dim3A_138, %broadcast_in_dim3A_139 : vector<16xi1>, vector<16xf32>
      %broadcast_in_dim3A_141 = vector.broadcast %mul3A_124 : f32 to vector<16xf32>
      %select_n3A_142 = arith.select %eq3A_133, %broadcast_in_dim3A_141, %select_n3A_140 : vector<16xi1>, vector<16xf32>
      %broadcast_in_dim3A_143 = vector.broadcast %add3A_127 : f32 to vector<16xf32>
      %select_n3A_144 = arith.select %eq3A_130, %broadcast_in_dim3A_143, %select_n3A_142 : vector<16xi1>, vector<16xf32>
      %swap3A_145 = arith.constant 0 : index
      %swap3A_146 = tpu.vector_load %arg24[%swap3A_145] {strides = array<i32>} : memref<16xf32, #tpu.memory_space<vmem>>, vector<16xf32>,
      tpu.vector_store %arg24[%swap3A_145], %select_n3A_144 {strides = array<i32>} : memref<16xf32, #tpu.memory_space<vmem>>, vector<16xf32>,
      "tpu.region"() ({
        %run_scoped3A = tpu.sem_alloc : memref<!tpu.dma_semaphore, #tpu.memory_space<semaphore_mem>>
        %dma_start3A_147 = arith.constant 0 : i32
        %dma_start3A_148 = tpu.memref_slice %arg11[%arg0, %dma_start3A_147] : memref<2x16xf32, #tpu.memory_space<hbm>> -> memref<1x16xf32, #tpu.memory_space<hbm>>
        %dma_start3A_149 = tpu.memref_squeeze %dma_start3A_148 : memref<1x16xf32, #tpu.memory_space<hbm>> -> memref<16xf32, #tpu.memory_space<hbm>>
        %dma_start3A_150 = arith.constant 0 : i32
        %dma_start3A_151 = tpu.memref_slice %arg11[%arg0, %dma_start3A_150] : memref<2x16xf32, #tpu.memory_space<hbm>> -> memref<1x16xf32, #tpu.memory_space<hbm>>
        %dma_start3A_152 = tpu.memref_squeeze %dma_start3A_151 : memref<1x16xf32, #tpu.memory_space<hbm>> -> memref<16xf32, #tpu.memory_space<hbm>>
        tpu.enqueue_dma source(%arg24 : memref<16xf32, #tpu.memory_space<vmem>>) target(%dma_start3A_152 : memref<16xf32, #tpu.memory_space<hbm>>) target_semaphore(%run_scoped3A : memref<!tpu.dma_semaphore, #tpu.memory_space<semaphore_mem>>)
        %dma_wait3A_153 = arith.constant 0 : i32
        %dma_wait3A_154 = tpu.memref_slice %arg11[%arg0, %dma_wait3A_153] : memref<2x16xf32, #tpu.memory_space<hbm>> -> memref<1x16xf32, #tpu.memory_space<hbm>>
        %dma_wait3A_155 = tpu.memref_squeeze %dma_wait3A_154 : memref<1x16xf32, #tpu.memory_space<hbm>> -> memref<16xf32, #tpu.memory_space<hbm>>
        %dma_wait3A_156 = arith.constant 0 : i32
        %dma_wait3A_157 = tpu.memref_slice %arg11[%arg0, %dma_wait3A_156] : memref<2x16xf32, #tpu.memory_space<hbm>> -> memref<1x16xf32, #tpu.memory_space<hbm>>
        %dma_wait3A_158 = tpu.memref_squeeze %dma_wait3A_157 : memref<1x16xf32, #tpu.memory_space<hbm>> -> memref<16xf32, #tpu.memory_space<hbm>>
        tpu.wait_dma2 semaphore(%run_scoped3A : memref<!tpu.dma_semaphore, #tpu.memory_space<semaphore_mem>>) src(%arg24 : memref<16xf32, #tpu.memory_space<vmem>>) dst(%dma_wait3A_158 : memref<16xf32, #tpu.memory_space<hbm>>)
        tpu.yield
      }) : () -> ()
    } else {
    }
    return
  }
}

</mosaic_0001>

<sc_bundles>
// kernel: kernel.3.cloned.1.call-start
scs
__scs_entry_jumppad:
0x0: {  	(pc) =	sbr.rel $0x88, $3  }
0x1: {  	(tag) =	ssettag $0x0;
	lr =	simm.s32 $0x1  }
0x2: {  	[smem:$0x3F9C] =	sst lr;
	_ =	strace $0xD0000000  }
0x3: {  	_ = 	snop  }
0x4: {  	_ = 	snop  }
0x5: {  	_ = 	snop  }
0x6: {  	_ = 	snop  }
0x7: {  	_ = 	snop  }
__scs_overlays_trampoline_lowered:
0x8: {  	[smem:$0x3FAB] =	sst s0  }
0x9: {  	[smem:$0x3FAC] =	sst s1  }
0xa: {  	[smem:$0x3FAD] =	sst s2  }
0xb: {  	[smem:$0x3FAE] =	sst s3  }
0xc: {  	[smem:$0x3FAF] =	sst s4  }
0xd: {  	[smem:$0x3FB0] =	sst s5  }
0xe: {  	[smem:$0x3FB1] =	sst s6  }
0xf: {  	[smem:$0x3FB2] =	sst s7  }
0x10: {  	[smem:$0x3FB3] =	sst s8  }
0x11: {  	[smem:$0x3FB4] =	sst s9;
	s0 =	simm.s32 @!p0 $0x0  }
0x12: {  	s1 =	sld [smem:$0x3F9A];
	s0 =	simm.s32 @p0 $0x1  }
0x13: {  	[smem:$0x3FB5] =	sst s0;
	s0 =	simm.s32 @!p1 $0x0  }
0x14: {  	s2 =	sld [smem:$0x3F99];
	s0 =	simm.s32 @p1 $0x1  }
0x15: {  	[smem:$0x3FB6] =	sst s0;
	s0 =	simm.s32 @!p2 $0x0  }
0x16: {  	s3 =	sld [smem:$0x3FDB];
	s0 =	simm.s32 @p2 $0x1  }
0x17: {  	s4 =	simm.s32 $0x1BF5;
	[smem:$0x3FB8] =	sst s0  }
0x18: {  	s0 =	sld [smem:$0x3F9B];
	_ =	swait.ge [sflag:s4], $0x0  }
0x19: {  	s7 =	sld [smem:$0x3F9C]  }
0x1a: {  	s8 =	sadd.s32 $0xFFFFE003, lr  }
0x1b: {  	s9 =	sadd.s32 $0xFFFFFEF7, lr;
	s5 =	simm.s32 $0xFFFFFFFF;
	p2 =	slt.u32 s8, $0xFFFFF086  }
0x1c: {  	p1 =	slt.u32 s9, $0xF7A;
	s5 =	simm.s32 @!p2 $0x0  }
0x1d: {  	s5 =	simm.s32 @p1 $0x1;
	p0 =	seq.s32 s7, s2  }
0x1e: {  	s7 =	smul.u32 @!p0 $0xF7A, s2;
	p2 =	seq.s32 @!p0 s5, $0x0  }
0x1f: {  	s9 =	smul.u32 $0xF7A, s1;
	s8 =	simm.s32 @!p0 $0x1BF5;
	p2 =	por !p2, p0  }
0x20: {  	[sflag:s8] =	ssyncset.s32 @!p0 $0xFFFFF086;
	s6 =	sadd.s32 @!p0 s3, s7;
	s7 =	simm.s32 @!p0 $0x108  }
0x21: {  	s3 =	sadd.s32 s3, s9;
	s6 =	sadd.s32 @!p0 $0x88, s6;
	s7 =	simm.s32 @p2 $0x1082  }
0x22: {  	[simem:s7], [sflag:s8] =	dma.local @!p0 [hbm:s6], $0xF7A  }
0x23: {  	s9 =	sor.u32 $0xD0000000, s2;
	s6 =	simm.s32 $0x108;
	_ =	swait.ge @!p0 [sflag:s8], $0x0  }
0x24: {  	s3 =	sadd.s32 $0x88, s3;
	s6 =	simm.s32 @!p1 $0x1082;
	[sflag:s4] =	ssyncset.s32 $0xFFFFF086  }
0x25: {  	[simem:s6], [sflag:s4] =	dma.local [hbm:s3], $0xF7A  }
0x26: {  	[smem:$0x3F9C] =	sst s1;
	(tag) =	ssettag s2;
	_ =	strace s9  }
0x27: {  	s1 =	sld [smem:$0x3FAC]  }
0x28: {  	s2 =	sld [smem:$0x3FAD]  }
0x29: {  	s4 =	sld [smem:$0x3FAF]  }
0x2a: {  	p0 =	seq.s32 s5, $0x0;
	s5 =	sld [smem:$0x3FB0]  }
0x2b: {  	s6 =	sld [smem:$0x3FB1]  }
0x2c: {  	s7 =	sld [smem:$0x3FB2]  }
0x2d: {  	s3 =	simm.s32 $0x108;
	s8 =	sld [smem:$0x3FB3]  }
0x2e: {  	s3 =	simm.s32 @!p0 $0x1082;
	s9 =	sld [smem:$0x3FB4]  }
0x2f: {  	lr =	sadd.s32 s0, s3;
	s0 =	sld [smem:$0x3FAB]  }
0x30: {  	s3 =	sld [smem:$0x3FAE]  }
0x31: {  	[smem:$0x3FB7] =	sst s10  }
0x32: {  	s10 =	sld [smem:$0x3FB5];
	_ =	sdelay $0x3  }
0x33: {  	p0 =	seq.s32 s10, $0x1;
	s10 =	sld [smem:$0x3FB7];
	_ =	sdelay $0x3  }
0x34: {  	[smem:$0x3FB7] =	sst s10  }
0x35: {  	s10 =	sld [smem:$0x3FB6];
	_ =	sdelay $0x3  }
0x36: {  	p1 =	seq.s32 s10, $0x1;
	s10 =	sld [smem:$0x3FB7];
	_ =	sdelay $0x3  }
0x37: {  	[smem:$0x3FB7] =	sst s10  }
0x38: {  	s10 =	sld [smem:$0x3FB8]  }
0x39: {  	_ = 	snop;
	(pc) =	sbr.ind lr, $3  }
0x3a: {  	_ = 	snop  }
0x3b: {  	_ = 	snop  }
0x3c: {  	p2 =	seq.s32 s10, $0x1;
	s10 =	sld [smem:$0x3FB7]  }
0x3d: {  	_ =	shalt  }
0x3e: {  	_ =	shalt  }
0x3f: {  	_ =	shalt  }
0x40: {  	_ =	shalt  }
0x41: {  	_ =	shalt  }
0x42: {  	_ =	shalt  }
0x43: {  	_ =	shalt  }
0x44: {  	_ =	shalt  }
0x45: {  	_ =	shalt  }
0x46: {  	_ =	shalt  }
0x47: {  	_ =	shalt  }
0x48: {  	_ =	shalt  }
0x49: {  	_ =	shalt  }
0x4a: {  	_ =	shalt  }
0x4b: {  	_ =	shalt  }
0x4c: {  	_ =	shalt  }
0x4d: {  	_ =	shalt  }
0x4e: {  	_ =	shalt  }
0x4f: {  	_ =	shalt  }
0x50: {  	_ =	shalt  }
0x51: {  	_ =	shalt  }
0x52: {  	_ =	shalt  }
0x53: {  	_ =	shalt  }
0x54: {  	_ =	shalt  }
0x55: {  	_ =	shalt  }
0x56: {  	_ =	shalt  }
0x57: {  	_ =	shalt  }
0x58: {  	_ =	shalt  }
0x59: {  	_ =	shalt  }
0x5a: {  	_ =	shalt  }
0x5b: {  	_ =	shalt  }
0x5c: {  	_ =	shalt  }
0x5d: {  	_ =	shalt  }
0x5e: {  	_ =	shalt  }
0x5f: {  	_ =	shalt  }
0x60: {  	_ =	shalt  }
0x61: {  	_ =	shalt  }
0x62: {  	_ =	shalt  }
0x63: {  	_ =	shalt  }
0x64: {  	_ =	shalt  }
0x65: {  	_ =	shalt  }
0x66: {  	_ =	shalt  }
0x67: {  	_ =	shalt  }
0x68: {  	_ =	shalt  }
0x69: {  	_ =	shalt  }
0x6a: {  	_ =	shalt  }
0x6b: {  	_ =	shalt  }
0x6c: {  	_ =	shalt  }
0x6d: {  	_ =	shalt  }
0x6e: {  	_ =	shalt  }
0x6f: {  	_ =	shalt  }
0x70: {  	_ =	shalt  }
0x71: {  	_ =	shalt  }
0x72: {  	_ =	shalt  }
0x73: {  	_ =	shalt  }
0x74: {  	_ =	shalt  }
0x75: {  	_ =	shalt  }
0x76: {  	_ =	shalt  }
0x77: {  	_ =	shalt  }
0x78: {  	_ =	shalt  }
0x79: {  	_ =	shalt  }
0x7a: {  	_ =	shalt  }
0x7b: {  	_ =	shalt  }
0x7c: {  	_ =	shalt  }
0x7d: {  	_ =	shalt  }
0x7e: {  	_ =	shalt  }
0x7f: {  	_ =	shalt  }
0x80: {  	_ =	shalt  }
0x81: {  	_ =	shalt  }
0x82: {  	_ =	shalt  }
0x83: {  	_ =	shalt  }
0x84: {  	_ =	shalt  }
0x85: {  	_ =	shalt  }
0x86: {  	_ =	shalt  }
0x87: {  	_ =	shalt  }
.Lfunc_end0:
.L_simem_size_0:
called_computation_lowered:
.L_overlay_start_0:
0x88: {  	s2 =	sld [smem:$0x3FD9]  }
0x89: {  	s3 =	sld [smem:$0x3FFE];
	_ =	sdelay $0x1  }
0x8a: {  	s1 =	srdreg.scid  }
0x8b: {  	s0 =	sand.u32 $0x1, s1  }
0x8c: {  	s14 =	sshll.u32 s0, $0xA;
	s2 =	sadd.s32 s3, s2  }
0x8d: {  	s2 =	sadd.s32 s2, s14  }
0x8e: {  	[smem:$0x3FC3] =	sst s2  }
0x8f: {  	_ = 	snop  }
0x90: {  	s2 =	sld [smem:$0x3FD0]  }
0x91: {  	s15 =	sld [smem:$0x3FC9]  }
0x92: {  	s4 =	sld [smem:$0x3FC8]  }
0x93: {  	s6 =	simm.s32 $0xA;
	s7 =	simm.s32 $0x10;
	s5 =	sld [smem:$0x3FC5]  }
0x94: {  	[smem:s7], [sflag:s6] =	dma.local [hbm:s2], $0x1  }
0x95: {  	_ =	swait.eq [sflag:s6], $0x1  }
0x96: {  	[sflag:s6] =	ssyncset.done $0x0  }
0x97: {  	[sflag:s6] =	ssyncadd.s32 $0xFFFFFFFF  }
0x98: {  	s16 =	sld [smem:$0x12];
	(tm) =	ssettm $0x1  }
0x99: {  	s17 =	sld [smem:$0x3FFB];
	_ =	sdelay $0x3  }
0x9a: {  	_ =	strace s17  }
0x9b: {  	s6 =	sld [smem:$0x3FFC];
	_ =	sdelay $0x3  }
0x9c: {  	_ =	strace s6  }
0x9d: {  	s6 =	sld [smem:$0x3FFD];
	_ =	sdelay $0x3  }
0x9e: {  	_ =	strace s6  }
0x9f: {  	_ =	strace $0x8FFFFFFF  }
0xa0: {  	s18 =	sld [smem:$0x3FDB];
	_ =	sdelay $0x1  }
0xa1: {  	s19 =	simm.s32 $_scs_section_size  }
0xa2: {  	s8 =	simm.s32 $_size__tile_overlayer_lowered;
	s9 =	simm.s32 $_tile_overlayer_lowered  }
0xa3: {  	s22 =	simm.s32 $0x1BFF;
	s21 =	sshll.u32 s9, $0x1;
	s6 =	sadd.s32 s19, s18  }
0xa4: {  	s10 =	simm.s32 $0x0;
	s20 =	sshll.u32 s8, $0x1;
	s8 =	sadd.s32 s21, s6  }
0xa5: {  	[timem:s10], [sflag:s22] =	dma.local [hbm:s8], s20  }
0xa6: {  	_ =	swait.ge [sflag:s22], s20  }
0xa7: {  	s7 =	ssub.s32 $0x0, s20;
	[sflag:s22] =	ssyncset.done $0x0  }
0xa8: {  	[sflag:s22] =	ssyncadd.s32 s7;
	_ =	sdelay $0x1  }
0xa9: {  	s23 =	simm.s32 $0x1B8B  }
0xaa: {  	_ =	swait.ge [sflag:s23], $0x1  }
0xab: {  	[sflag:s23] =	ssyncset.done $0x0  }
0xac: {  	s25 =	simm.s32 $0x1B8E;
	s24 =	sld [smem:$0x3FFE];
	[sflag:s23] =	ssyncadd.s32 $0xFFFFFFFF  }
0xad: {  	s26 =	simm.s32 $execute0_lowered;
	[smem:$0x3FD2] =	sst s25  }
0xae: {  	s8 =	sshll.u32 s26, $0x1;
	_ =	strace $0x80000046;
	[dreg:$0x1] =	wrdreg $0xFFFFFFFF  }
0xaf: {  	s28 =	simm.s32 $_size_execute0_lowered;
	s6 =	sadd.s32 s6, s8;
	[dreg:$0x0] =	wrdreg $0x0  }
0xb0: {  	s8 =	sshll.u32 s28, $0x1;
	[dreg:$0x2] =	wrdreg s6  }
0xb1: {  	[dreg:$0x3] =	wrdreg s8  }
0xb2: {  	[dreg:$0x4] =	wrdreg $0xC0  }
0xb3: {  	_ =	task [dreg:s10], $0x5FFFF  }
0xb4: {  	[dreg:$0x1] =	wrdreg $0xFFFFFFFF  }
0xb5: {  	[dreg:$0x0] =	wrdreg $0x60  }
0xb6: {  	[dreg:$0x2] =	wrdreg s15  }
0xb7: {  	[dreg:$0x3] =	wrdreg s4  }
0xb8: {  	[dreg:$0x4] =	wrdreg s24  }
0xb9: {  	[dreg:$0x5] =	wrdreg s5  }
0xba: {  	[dreg:$0x6] =	wrdreg s16  }
0xbb: {  	[dreg:$0x7] =	wrdreg $0xC2100  }
0xbc: {  	[dreg:$0x8] =	wrdreg $0xC3100  }
0xbd: {  	[dreg:$0x9] =	wrdreg $0x9  }
0xbe: {  	_ =	task.clear_ibuf [dreg:s10], $0xAFFFF;
	_ =	strace $0x90000046  }
0xbf: {  	s29 =	simm.s32 $0x9;
	_ =	strace $0x80000048  }
0xc0: {  	_ =	swait.ge [sflag:s29], $0x1  }
0xc1: {  	[sflag:s29] =	ssyncadd.s32 $0xFFFFFFFF  }
0xc2: {  	_ =	strace $0x90000048  }
0xc3: {  	_ =	sfence  }
0xc4: {  	s30 =	sld [smem:$0x0];
	_ =	sdelay $0x2  }
0xc5: {  	s31 =	sshll.u32 s1, $0xD;
	s1 =	sshrl.u32 s1, $0x2  }
0xc6: {  	s3 =	sand.u32 $0x4000, s31;
	s1 =	sadd.s32 s1, s30  }
0xc7: {  	s0 =	sor.u32 s3, s0;
	s1 =	sshll.u32 s1, $0x11  }
0xc8: {  	s0 =	sor.u32 s1, s0  }
0xc9: {  	s0 =	sadd.s32 $0x8F2B, s0  }
0xca: {  	[sflag:s0] =	ssyncadd.remote.s32 $0x1  }
0xcb: {  	_ =	sfence.sel $0xFFFF  }
0xcc: {  	[dreg:$0x0] =	wrdreg $0xFFFFFFFF;
	(pc) =	sbr.abs _section_cstart, $3  }
0xcd: {  	[dreg:$0x1] =	wrdreg $0xFFFFFFFF  }
0xce: {  	_ =	task.clear_ibuf [dreg:s10], $0x2FFFF;
	_ =	strace $0x9FFFFFFF  }
0xcf: {  	(tm) =	ssettm $0x7FFFFFFF  }
tec
execute0_lowered:
.L_overlay_start_1:
0x0: {  	(tag) =	ssettag $0x1  }
0x1: {  	s0 =	rddreg [dreg:$0x0]  }
0x2: {  	s2 =	rddreg [dreg:$0x1]  }
0x3: {  	s4 =	rddreg [dreg:$0x2]  }
0x4: {  	s5 =	rddreg [dreg:$0x3]  }
0x5: {  	s15 =	rddreg [dreg:$0x4]  }
0x6: {  	s1 =	rddreg [dreg:$0x5]  }
0x7: {  	s14 =	rddreg [dreg:$0x6]  }
0x8: {  	s6 =	srdreg.scid;
	s19 =	stileid.u32;
	s3 =	simm.s32 $0x0  }
0x9: {  	s28 =	simm.s32 $0xB100;
	s29 =	simm.s32 $0x3;
	s30 =	simm.s32 $0x2  }
0xa: {  	s16 =	sand.u32 $0x1, s6;
	s20 =	sshll.u32 s19, $0x1;
	[smem:$0x7FF] =	sst s3  }
0xb: {  	s17 =	sshll.u32 s19, $0xA;
	s23 =	sshll.u32 s19, $0x4;
	p0 =	sne.s32 s19, $0x0  }
0xc: {  	s19 =	simm.s32 $0x0;
	s11 =	sor.u32 s16, s20;
	_ =	strace $0x80000047  }
0xd: {  	s7 =	ssub.s32 $0x2, s16;
	s22 =	sshrl.u32 s17, $0x2;
	s24 =	sshll.u32 s16, $0x9  }
0xe: {  	s14 =	sadd.s32 s23, s14;
	s25 =	sshll.u32 s16, $0x1;
	s26 =	sshll.u32 s16, $0xC  }
0xf: {  	s6 =	sshll.u32 s11, $0x9;
	s21 =	sshrl.u32 s7, $0x1;
	s12 =	sshll.u32 s11, $0x4  }
0x10: {  	s13 =	sadd.s32 s22, s1;
	s10 =	sadd.s32 s6, s4;
	s18 =	ssub.s32 s7, s21  }
0x11: {  	s4 =	sadd.s32 s5, s17;
	s11 =	sadd.s32 s0, s12;
	s12 =	sadd.s32 s2, s12  }
0x12: {  	s2 =	sor.u32 s24, s17;
	s0 =	sadd.s32 s15, s25;
	s17 =	sor.u32 $0x40, s26  }
.Ltmp0:
0x13: {  	s15 =	simm.s32 $0xB200;
	s5 =	sadd.s32 $0x8C00, s10;
	(pc) =	sbr.rel .LBB2_1-.Ltmp0, $4  }
0x14: {  	s6 =	sadd.s32 $0x4C00, s10;
	s7 =	sadd.s32 $0xC00, s10;
	s8 =	sadd.s32 $0x14C00, s10  }
0x15: {  	v0 =	vimm.f32 $1.000000000e+00;
	v1 =	vimm.f32 $0.0e+00;
	s9 =	sadd.s32 $0x10C00, s10;
	s10 =	sadd.s32 $0xCC00, s10;
	s2 =	sor.u32 $0x40, s2  }
0x16: {  	vm0 =	vcmask $0x704;
	vm1 =	vcmask $0x3F04;
	vm2 =	vmmov $0x1;
	[dreg:$0x8] =	wrdreg s0;
	s16 =	smax.u32 s18, $0x1;
	s31 =	sshrl.u32 s2, $0x2  }
0x17: {  	vm3 =	vcmask $0x308;
	vm4 =	vcmask $0x300;
	vm5 =	vcmask $0xB08;
	s0 =	simm.s32 $0x1;
	s2 =	simm.s32 $0xA000;
	s18 =	sor.u32 $0xA000, s31  }
.LBB2_13:
0x18: {  	s19 =	sadd.s32 $0x1, s19  }
0x19: {  	p1 =	sne.s32 s19, s16  }
.Ltmp1:
0x1a: {  	_ = 	snop;
	(pc) =	sbr.rel @!p1 .LBB2_14-.Ltmp1, $1  }
0x1b: {  	_ =	sdelay $0x3  }
.LBB2_1:
0x1c: {  	[tilespmem:s3], [sflag:$0x2] =	stream.linear.gather [hbm4b:s4+s3], $0x2000, $0x38;
	[tilespmem:$0xC320] =	vst v63  }
0x1d: {  	s20 =	simm.s32 $0x4000  }
0x1e: {  	[tilespmem:s20], [sflag:$0x1] =	stream.linear.gather [hbm4b:s5+s3], $0x1000, $0x38;
	[tilespmem:$0xC320] =	vst v63  }
0x1f: {  	s21 =	simm.s32 $0x5000  }
0x20: {  	[tilespmem:s21], [sflag:$0x1] =	stream.linear.gather [hbm4b:s6+s3], $0x1000, $0x38;
	[tilespmem:$0xC320] =	vst v63  }
0x21: {  	s22 =	simm.s32 $0x6000  }
0x22: {  	[tilespmem:s22], [sflag:$0x1] =	stream.linear.gather [hbm4b:s7+s3], $0x1000, $0x38;
	[tilespmem:$0xC320] =	vst v63  }
0x23: {  	s23 =	simm.s32 $0x7000  }
0x24: {  	[tilespmem:s23], [sflag:$0x1] =	stream.linear.gather [hbm4b:s8+s3], $0x1000, $0x38;
	[tilespmem:$0xC320] =	vst v63  }
0x25: {  	s24 =	simm.s32 $0x8000  }
0x26: {  	[tilespmem:s24], [sflag:$0x1] =	stream.linear.gather [hbm4b:s9+s3], $0x1000, $0x38;
	[tilespmem:$0xC320] =	vst v63  }
0x27: {  	s25 =	simm.s32 $0x9000  }
0x28: {  	[tilespmem:s25], [sflag:$0x1] =	stream.linear.gather [hbm4b:s10+s3], $0x1000, $0x38;
	[tilespmem:$0xC320] =	vst v63  }
0x29: {  	s26 =	simm.s32 $0xB000  }
0x2a: {  	[tilespmem:s26], [sflag:$0x1] =	stream.linear.gather [hbm4b:s11+s3], $0x80, $0x38;
	[tilespmem:$0xC320] =	vst v63  }
0x2b: {  	s31 =	simm.s32 $0xB080;
	s21 =	simm.s32 $0x2040  }
0x2c: {  	[tilespmem:s31], [sflag:$0x1] =	stream.linear.gather [hbm4b:s12+s3], $0x80, $0x38;
	[tilespmem:$0xC320] =	vst v63  }
0x2d: {  	[tilespmem:s21+$0xFFFFFFC0] =	vst v0  }
0x2e: {  	[tilespmem:s21+$0x30] =	vst v0  }
0x2f: {  	[tilespmem:s21+$0x20] =	vst v0  }
0x30: {  	[tilespmem:s21+$0x10] =	vst v0  }
0x31: {  	[tilespmem:s21+$0x0] =	vst v0  }
0x32: {  	[tilespmem:s21+$0xFFFFFFF0] =	vst v0  }
0x33: {  	s20 =	simm.s32 $0xB120;
	s22 =	simm.s32 $0x0;
	[tilespmem:s21+$0xFFFFFFE0] =	vst v0  }
.LBB2_2:
0x34: {  	s22 =	sadd.s32 $0x8, s22;
	[tilespmem:s21+$0xFFFFFFD0] =	vst v0;
	s21 =	sadd.s32 $0x80, s21  }
0x35: {  	[tilespmem:s21+$0xFFFFFFC0] =	vst v0;
	p1 =	slt.u32 s22, $0x1F8  }
0x36: {  	[tilespmem:s21+$0x30] =	vst v0  }
.Ltmp2:
0x37: {  	[tilespmem:s21+$0x20] =	vst v0;
	(pc) =	sbr.rel @p1 .LBB2_2-.Ltmp2, $4  }
0x38: {  	[tilespmem:s21+$0x10] =	vst v0  }
0x39: {  	[tilespmem:s21+$0x0] =	vst v0  }
0x3a: {  	[tilespmem:s21+$0xFFFFFFF0] =	vst v0  }
0x3b: {  	[tilespmem:s21+$0xFFFFFFE0] =	vst v0  }
0x3c: {  	[tilespmem:s21+$0xFFFFFFD0] =	vst v0  }
0x3d: {  	[tilespmem:s20+$0xFFFFFFE0] =	vst v1  }
0x3e: {  	[tilespmem:s20+$0x10] =	vst v1  }
0x3f: {  	s21 =	simm.s32 $0x0;
	[tilespmem:s20+$0x0] =	vst v1  }
.LBB2_4:
0x40: {  	s21 =	sadd.s32 $0x4, s21  }
0x41: {  	[tilespmem:s20+$0xFFFFFFF0] =	vst v1;
	s20 =	sadd.s32 $0x40, s20;
	p1 =	slt.u32 s21, $0xC  }
.Ltmp3:
0x42: {  	[tilespmem:s20+$0xFFFFFFE0] =	vst v1;
	(pc) =	sbr.rel @p1 .LBB2_4-.Ltmp3, $3  }
0x43: {  	_ =	sdelay $0x1  }
0x44: {  	[tilespmem:s20+$0x10] =	vst v1  }
0x45: {  	[tilespmem:s20+$0x0] =	vst v1  }
0x46: {  	[tilespmem:s20+$0xFFFFFFF0] =	vst v1  }
0x47: {  	[spmem:s13] =	stream.linear.scatter [tilespmem:s28], [sflag:$0x3], $0x100, $0x38;
	[tilespmem:$0xC320] =	vst v63  }
0x48: {  	_ =	swait.ge [sflag:s29], $0x100  }
0x49: {  	[sflag:s29] =	ssyncset.done $0x0  }
0x4a: {  	[sflag:s29] =	ssyncadd.s32 $0xFFFFFF00  }
0x4b: {  	_ =	swait.ge [sflag:s30], $0x2000  }
0x4c: {  	[sflag:s30] =	ssyncset.done $0x0  }
0x4d: {  	[sflag:s30] =	ssyncadd.s32 $0xFFFFE000  }
0x4e: {  	s26 =	simm.s32 $0x2000;
	[bflag:$0x0] =	sbarrier.arrive $0xFFFF  }
0x4f: {  	[spmem:s1] =	stream.indirect.scatter.add.f32 [tilespmem:s26], [sflag:$0x2], $0x1, s3, s26, $0xb8;
	[tilespmem:$0xC320] =	vst v63  }
0x50: {  	_ =	swait.ge [sflag:s0], $0x1000  }
0x51: {  	[sflag:s0] =	ssyncset.done $0x0  }
0x52: {  	[sflag:s0] =	ssyncadd.s32 $0xFFFFF000  }
0x53: {  	_ =	swait.ge [sflag:s0], $0x1000  }
0x54: {  	[sflag:s0] =	ssyncset.done $0x0  }
0x55: {  	[sflag:s0] =	ssyncadd.s32 $0xFFFFF000  }
0x56: {  	_ =	swait.ge [sflag:s0], $0x1000  }
0x57: {  	[sflag:s0] =	ssyncset.done $0x0  }
0x58: {  	[sflag:s0] =	ssyncadd.s32 $0xFFFFF000  }
0x59: {  	_ =	swait.ge [sflag:s0], $0x1000  }
0x5a: {  	[sflag:s0] =	ssyncset.done $0x0  }
0x5b: {  	[sflag:s0] =	ssyncadd.s32 $0xFFFFF000  }
0x5c: {  	_ =	swait.ge [sflag:s0], $0x1000  }
0x5d: {  	[sflag:s0] =	ssyncset.done $0x0  }
0x5e: {  	[sflag:s0] =	ssyncadd.s32 $0xFFFFF000  }
0x5f: {  	_ =	swait.ge [sflag:s0], $0x1000  }
0x60: {  	[sflag:s0] =	ssyncset.done $0x0  }
0x61: {  	[sflag:s0] =	ssyncadd.s32 $0xFFFFF000  }
0x62: {  	_ =	swait.ge [sflag:s0], $0x80  }
0x63: {  	[sflag:s0] =	ssyncset.done $0x0  }
0x64: {  	[sflag:s0] =	ssyncadd.s32 $0xFFFFFF80  }
0x65: {  	_ =	swait.ge [sflag:s0], $0x80  }
0x66: {  	[sflag:s0] =	ssyncset.done $0x0  }
0x67: {  	s25 =	simm.s32 $0x4040;
	[sflag:s0] =	ssyncadd.s32 $0xFFFFFF80  }
0x68: {  	s20 =	simm.s32 $0x7040;
	v2 =	vld [tilespmem:s25+$0x30]  }
0x69: {  	s21 =	simm.s32 $0x5040;
	v3 =	vld [tilespmem:s20+$0x30]  }
0x6a: {  	s22 =	simm.s32 $0x8040;
	v4 =	vld [tilespmem:s21+$0x30]  }
0x6b: {  	s23 =	simm.s32 $0x6040;
	v5 =	vld [tilespmem:s22+$0x30]  }
0x6c: {  	s24 =	simm.s32 $0x9040;
	v6 =	vld [tilespmem:s23+$0x30]  }
0x6d: {  	v7 =	vld [tilespmem:s24+$0x30]  }
0x6e: {  	v8 =	vld [tilespmem:s20+$0xFFFFFFC0]  }
0x6f: {  	v9 =	vld [tilespmem:s21+$0xFFFFFFC0]  }
0x70: {  	v10 =	vld [tilespmem:s22+$0xFFFFFFC0]  }
0x71: {  	v11 =	vld [tilespmem:s25+$0xFFFFFFD0]  }
0x72: {  	v12 =	vld [tilespmem:s20+$0xFFFFFFD0]  }
0x73: {  	v13 =	vld [tilespmem:s21+$0xFFFFFFD0]  }
0x74: {  	v14 =	vld [tilespmem:s22+$0xFFFFFFD0]  }
0x75: {  	v15 =	vld [tilespmem:s25+$0xFFFFFFE0]  }
0x76: {  	v16 =	vld [tilespmem:s20+$0xFFFFFFE0]  }
0x77: {  	v17 =	vld [tilespmem:s21+$0xFFFFFFE0]  }
0x78: {  	v18 =	vld [tilespmem:s22+$0xFFFFFFE0]  }
0x79: {  	v19 =	vld [tilespmem:s25+$0xFFFFFFF0]  }
0x7a: {  	v20 =	vld [tilespmem:s20+$0xFFFFFFF0]  }
0x7b: {  	v21 =	vld [tilespmem:s21+$0xFFFFFFF0]  }
0x7c: {  	v22 =	vld [tilespmem:s22+$0xFFFFFFF0]  }
0x7d: {  	v23 =	vld [tilespmem:s25+$0x0]  }
0x7e: {  	v24 =	vld [tilespmem:s20+$0x0]  }
0x7f: {  	v25 =	vld [tilespmem:s21+$0x0]  }
0x80: {  	v26 =	vld [tilespmem:s22+$0x0]  }
0x81: {  	v27 =	vld [tilespmem:s25+$0x10]  }
0x82: {  	v28 =	vld [tilespmem:s22+$0x10];
	v2 =	vsub.f32 v2, v3;
	v3 =	vsub.f32 v4, v5  }
0x83: {  	v57 =	vld [tilespmem:s25+$0xFFFFFFC0]  }
0x84: {  	v58 =	vld [tilespmem:s24+$0xFFFFFFC0];
	v2 =	vmul.f32 v2, v2;
	v3 =	vmul.f32 v3, v3  }
0x85: {  	v4 =	vld [tilespmem:s20+$0x10];
	v6 =	vsub.f32 v6, v7  }
0x86: {  	v5 =	vld [tilespmem:s21+$0x10];
	v56 =	vsub.f32 v21, v22;
	v2 =	vadd.f32 v3, v2  }
0x87: {  	v7 =	vld [tilespmem:s25+$0x20];
	v3 =	vsub.f32 v11, v12;
	v12 =	vsub.f32 v13, v14  }
0x88: {  	v6 =	vmul.f32 v6, v6;
	v11 =	vld [tilespmem:s20+$0x20];
	v13 =	vsub.f32 v15, v16;
	v15 =	vsub.f32 v17, v18  }
0x89: {  	v14 =	vld [tilespmem:s21+$0x20];
	v16 =	vsub.f32 v19, v20;
	v18 =	vmul.f32 v56, v56;
	v3 =	vmul.f32 v3, v3  }
0x8a: {  	v9 =	vsub.f32 v9, v10;
	v17 =	vld [tilespmem:s22+$0x20];
	v10 =	vmul.f32 v13, v13;
	v13 =	vmul.f32 v15, v15  }
0x8b: {  	v4 =	vsub.f32 v27, v4;
	v12 =	vmul.f32 v12, v12;
	v15 =	vld [tilespmem:s23+$0xFFFFFFC0];
	v16 =	vmul.f32 v16, v16  }
0x8c: {  	v6 =	vadd.f32 v6, v2;
	v2 =	vadd.f32 v13, v10;
	v10 =	vld [tilespmem:s23+$0xFFFFFFD0]  }
0x8d: {  	v12 =	vadd.f32 v12, v3;
	v3 =	vadd.f32 v18, v16;
	v16 =	vld [tilespmem:s24+$0xFFFFFFD0]  }
0x8e: {  	v60 =	vld [tilespmem:s23+$0xFFFFFFE0];
	v59 =	vsub.f32 v25, v26;
	v8 =	vsub.f32 v57, v8;
	v9 =	vmul.f32 v9, v9  }
0x8f: {  	v61 =	vld [tilespmem:s24+$0xFFFFFFE0];
	v63 =	vmul.f32 v4, v4;
	v13 =	vsub.f32 v23, v24;
	v11 =	vsub.f32 v7, v11  }
0x90: {  	v62 =	vld [tilespmem:s23+$0xFFFFFFF0];
	v7 =	vmul.f32 v8, v8;
	v8 =	vsub.f32 v14, v17;
	v14 =	vsub.f32 v15, v58  }
0x91: {  	v5 =	vsub.f32 v5, v28;
	v17 =	vmul.f32 v59, v59;
	v13 =	vmul.f32 v13, v13;
	v15 =	vld [tilespmem:s24+$0xFFFFFFF0]  }
0x92: {  	v9 =	vadd.f32 v9, v7;
	v7 =	vld [tilespmem:s23+$0x0];
	v14 =	vmul.f32 v14, v14;
	v16 =	vsub.f32 v10, v16  }
0x93: {  	v4 =	vadd.f32 v17, v13;
	v13 =	vmul.f32 v11, v11;
	v17 =	vmul.f32 v8, v8;
	v10 =	vld [tilespmem:s24+$0x0]  }
0x94: {  	s25 =	simm.s32 $0xB250;
	v19 =	vsub.f32 v60, v61;
	v8 =	vld [tilespmem:s23+$0x10];
	v14 =	vadd.f32 v14, v9;
	v16 =	vmul.f32 v16, v16  }
0x95: {  	v5 =	vmul.f32 v5, v5;
	[tilespmem:s25+$0x30] =	vst v6;
	v11 =	vld [tilespmem:s24+$0x10];
	v6 =	vadd.f32 v17, v13  }
0x96: {  	v9 =	vld [tilespmem:s23+$0x20];
	v15 =	vsub.f32 v62, v15;
	[tilespmem:s25+$0xFFFFFFC0] =	vst v14;
	v13 =	vadd.f32 v16, v12;
	v14 =	vmul.f32 v19, v19  }
0x97: {  	s31 =	simm.s32 $0x40C0;
	s26 =	simm.s32 $0x0;
	v5 =	vadd.f32 v5, v63;
	v12 =	vld [tilespmem:s24+$0x20]  }
.LBB2_6:
0x98: {  	v16 =	vld [tilespmem:s31+$0x30];
	[tilespmem:s25+$0xFFFFFFD0] =	vst v13;
	v2 =	vadd.f32 v14, v2;
	v13 =	vmul.f32 v15, v15;
	v7 =	vsub.f32 v7, v10;
	s20 =	sadd.s32 $0x80, s20  }
0x99: {  	s21 =	sadd.s32 $0x80, s21;
	v10 =	vld [tilespmem:s20+$0x30]  }
0x9a: {  	s22 =	sadd.s32 $0x80, s22;
	v14 =	vld [tilespmem:s21+$0x30];
	[tilespmem:s25+$0xFFFFFFE0] =	vst v2;
	v2 =	vadd.f32 v13, v3;
	v3 =	vmul.f32 v7, v7;
	v7 =	vsub.f32 v8, v11  }
0x9b: {  	s26 =	sadd.s32 $0x8, s26;
	s23 =	sadd.s32 $0x80, s23;
	v8 =	vld [tilespmem:s22+$0x30]  }
0x9c: {  	s24 =	sadd.s32 $0x80, s24;
	p1 =	slt.u32 s26, $0xF8;
	v11 =	vld [tilespmem:s23+$0x30];
	[tilespmem:s25+$0xFFFFFFF0] =	vst v2;
	v2 =	vadd.f32 v3, v4;
	v3 =	vmul.f32 v7, v7;
	v4 =	vsub.f32 v9, v12  }
0x9d: {  	v7 =	vld [tilespmem:s24+$0x30]  }
0x9e: {  	v9 =	vld [tilespmem:s20+$0xFFFFFFC0];
	[tilespmem:s25+$0x0] =	vst v2;
	v2 =	vadd.f32 v3, v5;
	v3 =	vmul.f32 v4, v4  }
0x9f: {  	v4 =	vld [tilespmem:s21+$0xFFFFFFC0]  }
0xa0: {  	v10 =	vsub.f32 v16, v10;
	v5 =	vld [tilespmem:s22+$0xFFFFFFC0];
	v8 =	vsub.f32 v14, v8;
	[tilespmem:s25+$0x10] =	vst v2  }
0xa1: {  	v3 =	vadd.f32 v3, v6;
	v2 =	vld [tilespmem:s31+$0xFFFFFFD0]  }
0xa2: {  	v10 =	vmul.f32 v10, v10;
	v6 =	vld [tilespmem:s20+$0xFFFFFFD0];
	v7 =	vsub.f32 v11, v7;
	v8 =	vmul.f32 v8, v8  }
0xa3: {  	v11 =	vld [tilespmem:s21+$0xFFFFFFD0];
	[tilespmem:s25+$0x20] =	vst v3  }
0xa4: {  	v3 =	vld [tilespmem:s22+$0xFFFFFFD0];
	v8 =	vadd.f32 v8, v10;
	v7 =	vmul.f32 v7, v7  }
0xa5: {  	v4 =	vsub.f32 v4, v5;
	v5 =	vld [tilespmem:s31+$0xFFFFFFE0]  }
0xa6: {  	v10 =	vld [tilespmem:s20+$0xFFFFFFE0];
	v7 =	vadd.f32 v7, v8  }
0xa7: {  	s25 =	sadd.s32 $0x80, s25;
	v8 =	vmul.f32 v4, v4;
	v2 =	vsub.f32 v2, v6;
	v4 =	vld [tilespmem:s21+$0xFFFFFFE0]  }
0xa8: {  	v6 =	vld [tilespmem:s22+$0xFFFFFFE0];
	[tilespmem:s25+$0x30] =	vst v7  }
0xa9: {  	v3 =	vsub.f32 v11, v3;
	v2 =	vmul.f32 v2, v2;
	v7 =	vld [tilespmem:s31+$0xFFFFFFF0]  }
0xaa: {  	v11 =	vld [tilespmem:s20+$0xFFFFFFF0]  }
0xab: {  	v3 =	vmul.f32 v3, v3;
	v5 =	vsub.f32 v5, v10;
	v10 =	vld [tilespmem:s21+$0xFFFFFFF0]  }
0xac: {  	v12 =	vld [tilespmem:s22+$0xFFFFFFF0]  }
0xad: {  	v13 =	vadd.f32 v3, v2;
	v2 =	vsub.f32 v4, v6;
	v3 =	vmul.f32 v5, v5;
	v4 =	vld [tilespmem:s31+$0x0]  }
0xae: {  	v5 =	vld [tilespmem:s20+$0x0]  }
0xaf: {  	v2 =	vmul.f32 v2, v2;
	v6 =	vsub.f32 v7, v11;
	v7 =	vld [tilespmem:s21+$0x0]  }
0xb0: {  	v11 =	vld [tilespmem:s22+$0x0]  }
0xb1: {  	v2 =	vadd.f32 v2, v3;
	v3 =	vsub.f32 v10, v12;
	v6 =	vmul.f32 v6, v6;
	v10 =	vld [tilespmem:s31+$0x10]  }
0xb2: {  	v12 =	vld [tilespmem:s20+$0x10]  }
0xb3: {  	v3 =	vmul.f32 v3, v3;
	v4 =	vsub.f32 v4, v5;
	v5 =	vld [tilespmem:s21+$0x10]  }
0xb4: {  	v14 =	vld [tilespmem:s22+$0x10]  }
0xb5: {  	v3 =	vadd.f32 v3, v6;
	v6 =	vsub.f32 v7, v11;
	v4 =	vmul.f32 v4, v4;
	v7 =	vld [tilespmem:s31+$0x20]  }
0xb6: {  	v11 =	vld [tilespmem:s20+$0x20]  }
0xb7: {  	v6 =	vmul.f32 v6, v6;
	v10 =	vsub.f32 v10, v12;
	v12 =	vld [tilespmem:s21+$0x20]  }
0xb8: {  	v15 =	vld [tilespmem:s22+$0x20]  }
0xb9: {  	v16 =	vld [tilespmem:s31+$0xFFFFFFC0];
	v4 =	vadd.f32 v6, v4;
	v5 =	vsub.f32 v5, v14;
	v6 =	vmul.f32 v10, v10  }
0xba: {  	v10 =	vld [tilespmem:s23+$0xFFFFFFC0]  }
0xbb: {  	v14 =	vld [tilespmem:s24+$0xFFFFFFC0];
	v5 =	vmul.f32 v5, v5;
	v7 =	vsub.f32 v7, v11  }
0xbc: {  	v11 =	vld [tilespmem:s23+$0xFFFFFFD0]  }
0xbd: {  	v17 =	vld [tilespmem:s24+$0xFFFFFFD0];
	v5 =	vadd.f32 v5, v6;
	v6 =	vsub.f32 v12, v15;
	v7 =	vmul.f32 v7, v7  }
0xbe: {  	v9 =	vsub.f32 v16, v9;
	v12 =	vld [tilespmem:s23+$0xFFFFFFE0]  }
0xbf: {  	v15 =	vld [tilespmem:s24+$0xFFFFFFE0];
	v6 =	vmul.f32 v6, v6  }
0xc0: {  	v10 =	vsub.f32 v10, v14;
	v9 =	vmul.f32 v9, v9;
	v16 =	vld [tilespmem:s23+$0xFFFFFFF0]  }
0xc1: {  	v18 =	vld [tilespmem:s24+$0xFFFFFFF0];
	v6 =	vadd.f32 v6, v7  }
0xc2: {  	v8 =	vadd.f32 v8, v9;
	v9 =	vmul.f32 v10, v10;
	v11 =	vsub.f32 v11, v17;
	v7 =	vld [tilespmem:s23+$0x0]  }
.Ltmp4:
0xc3: {  	v10 =	vld [tilespmem:s24+$0x0];
	(pc) =	sbr.rel @p1 .LBB2_6-.Ltmp4, $4  }
0xc4: {  	v9 =	vadd.f32 v9, v8;
	v14 =	vmul.f32 v11, v11;
	v12 =	vsub.f32 v12, v15;
	v8 =	vld [tilespmem:s23+$0x10]  }
0xc5: {  	v11 =	vld [tilespmem:s24+$0x10]  }
0xc6: {  	[tilespmem:s25+$0xFFFFFFC0] =	vst v9;
	v13 =	vadd.f32 v14, v13;
	v14 =	vmul.f32 v12, v12;
	v15 =	vsub.f32 v16, v18;
	v9 =	vld [tilespmem:s23+$0x20]  }
0xc7: {  	s31 =	sadd.s32 $0x80, s31;
	v12 =	vld [tilespmem:s24+$0x20]  }
0xc8: {  	_ =	sdelay $0x1  }
0xc9: {  	v7 =	vsub.f32 v7, v10  }
0xca: {  	v10 =	vmul.f32 v15, v15;
	v8 =	vsub.f32 v8, v11  }
0xcb: {  	v2 =	vadd.f32 v14, v2;
	v7 =	vmul.f32 v7, v7;
	v9 =	vsub.f32 v9, v12  }
0xcc: {  	[tilespmem:s25+$0xFFFFFFD0] =	vst v13;
	v3 =	vadd.f32 v10, v3;
	v8 =	vmul.f32 v8, v8  }
0xcd: {  	[tilespmem:s25+$0xFFFFFFE0] =	vst v2;
	v2 =	vadd.f32 v7, v4;
	v4 =	vmul.f32 v9, v9  }
0xce: {  	[tilespmem:s25+$0xFFFFFFF0] =	vst v3;
	v3 =	vadd.f32 v8, v5  }
0xcf: {  	[tilespmem:s25+$0x0] =	vst v2;
	v2 =	vadd.f32 v4, v6  }
0xd0: {  	[tilespmem:s25+$0x10] =	vst v3  }
0xd1: {  	[tilespmem:s25+$0x20] =	vst v2  }
0xd2: {  	_ =	swait.ge [sflag:s30], $0x2000  }
0xd3: {  	[sflag:s30] =	ssyncset.done $0x0  }
0xd4: {  	[sflag:s30] =	ssyncadd.s32 $0xFFFFE000  }
0xd5: {  	[bflag:$0x0] =	sbarrier.arrive $0xFFFF  }
0xd6: {  	[tilespmem:s2], [sflag:$0x3] =	stream.linear.gather [spmem:s1], $0x1000, $0x38;
	[tilespmem:$0xC320] =	vst v63  }
0xd7: {  	_ =	swait.ge [sflag:s29], $0x1000  }
0xd8: {  	[sflag:s29] =	ssyncset.done $0x0  }
0xd9: {  	[sflag:s29] =	ssyncadd.s32 $0xFFFFF000  }
0xda: {  	v2 =	vld [tilespmem:s17+$0xFFFFFFC0];
	_ =	sdelay $0x1  }
0xdb: {  	v3 =	vld [tilespmem:s17+$0xFFFFFFD0];
	_ =	sdelay $0x1  }
0xdc: {  	v4 =	vld [tilespmem:s17+$0xFFFFFFE0]  }
0xdd: {  	v5 =	vld [tilespmem:s17+$0xFFFFFFF0]  }
0xde: {  	v6 =	vld [tilespmem:s17+$0x0]  }
0xdf: {  	v7 =	vld [tilespmem:s17+$0x10]  }
0xe0: {  	v2 =	vld.idx.msk [tilespmem:v2+s2+$0x0], $0xffff  }
0xe1: {  	v10 =	vld [tilespmem:s17+$0x20]  }
0xe2: {  	v8 =	vld.idx.msk [tilespmem:v3+s2+$0x0], $0xffff  }
0xe3: {  	v13 =	vld [tilespmem:s17+$0x30]  }
0xe4: {  	s20 =	simm.s32 $0xB250;
	v12 =	vld.idx.msk [tilespmem:v4+s2+$0x0], $0xffff  }
0xe5: {  	v11 =	vld [tilespmem:s20+$0xFFFFFFC0];
	(erf) = vrcp.f32 v2  }
0xe6: {  	v5 =	vld.idx.msk [tilespmem:v5+s2+$0x0], $0xffff  }
0xe7: {  	v3 =	vld [tilespmem:s20+$0x30];
	(erf) = vrcp.f32 v8  }
0xe8: {  	v14 =	vld.idx.msk [tilespmem:v6+s2+$0x0], $0xffff  }
0xe9: {  	v4 =	vld [tilespmem:s20+$0x20];
	(erf) = vrcp.f32 v12  }
0xea: {  	v9 =	vld.idx.msk [tilespmem:v7+s2+$0x0], $0xffff  }
0xeb: {  	v6 =	vld.idx.msk [tilespmem:v10+s2+$0x0], $0xffff;
	(erf) = vrcp.f32 v5  }
0xec: {  	v10 =	vld [tilespmem:s20+$0xFFFFFFD0]  }
0xed: {  	v8 =	vld [tilespmem:s20+$0xFFFFFFE0];
	(erf) = vrcp.f32 v14  }
0xee: {  	s21 =	simm.s32 $0x0;
	s22 =	sadd.s32 $0x80, s17;
	v7 =	vimm.f32 $0.0e+00;
	v2 =	vimm.f32 $0.0e+00;
	v5 =	vld.idx.msk [tilespmem:v13+s2+$0x0], $0xffff;
	v12 =	vpop (erf)  }
.LBB2_8:
0xef: {  	v13 =	vld [tilespmem:s22+$0xFFFFFFC0];
	s21 =	sadd.s32 $0x8, s21;
	v15 =	vmul.f32 v12, v11;
	(erf) = vrcp.f32 v9  }
0xf0: {  	p1 =	slt.u32 s21, $0xF8;
	v9 =	vld [tilespmem:s20+$0xFFFFFFF0];
	v12 =	vpop (erf)  }
0xf1: {  	v14 =	vld [tilespmem:s22+$0xFFFFFFD0];
	v7 =	vadd.f32 v15, v7;
	v15 =	vmul.f32 v12, v10;
	(erf) = vrcp.f32 v6  }
0xf2: {  	v6 =	vld [tilespmem:s20+$0x0];
	v11 =	vpop (erf)  }
0xf3: {  	v12 =	vld [tilespmem:s22+$0xFFFFFFE0];
	v7 =	vadd.f32 v15, v7;
	v8 =	vmul.f32 v11, v8;
	(erf) = vrcp.f32 v5  }
0xf4: {  	v5 =	vld [tilespmem:s20+$0x10];
	v10 =	vpop (erf)  }
0xf5: {  	v11 =	vld [tilespmem:s22+$0xFFFFFFF0];
	v7 =	vadd.f32 v8, v7;
	v8 =	vmul.f32 v10, v9  }
0xf6: {  	v9 =	vld [tilespmem:s22+$0x0];
	v10 =	vpop (erf)  }
0xf7: {  	v13 =	vld.idx.msk [tilespmem:v13+s2+$0x0], $0xffff;
	v15 =	vadd.f32 v8, v7;
	v6 =	vmul.f32 v10, v6  }
0xf8: {  	v8 =	vld [tilespmem:s22+$0x10];
	v10 =	vpop (erf)  }
0xf9: {  	v14 =	vld.idx.msk [tilespmem:v14+s2+$0x0], $0xffff;
	v16 =	vadd.f32 v6, v15;
	v5 =	vmul.f32 v10, v5  }
0xfa: {  	v10 =	vld [tilespmem:s22+$0x20];
	v7 =	vpop (erf)  }
0xfb: {  	v12 =	vld.idx.msk [tilespmem:v12+s2+$0x0], $0xffff;
	v5 =	vadd.f32 v5, v16;
	v4 =	vmul.f32 v7, v4  }
0xfc: {  	v15 =	vld [tilespmem:s22+$0x30];
	v6 =	vpop (erf)  }
0xfd: {  	s20 =	sadd.s32 $0x80, s20;
	v16 =	vld.idx.msk [tilespmem:v11+s2+$0x0], $0xffff;
	(erf) = vrcp.f32 v13;
	v4 =	vadd.f32 v4, v5;
	v5 =	vmul.f32 v6, v3  }
0xfe: {  	v3 =	vld [tilespmem:s20+$0x30]  }
0xff: {  	s24 =	simm.s32 $0xB010;
	s23 =	simm.s32 $0xB090;
	v13 =	vld.idx.msk [tilespmem:v9+s2+$0x0], $0xffff;
	(erf) = vrcp.f32 v14;
	v7 =	vadd.f32 v5, v4  }
0x100: {  	v4 =	vld [tilespmem:s20+$0x20]  }
0x101: {  	v9 =	vld.idx.msk [tilespmem:v8+s2+$0x0], $0xffff;
	(erf) = vrcp.f32 v12  }
.Ltmp5:
0x102: {  	v11 =	vld [tilespmem:s20+$0xFFFFFFC0];
	(pc) =	sbr.rel @p1 .LBB2_8-.Ltmp5, $4  }
0x103: {  	v6 =	vld.idx.msk [tilespmem:v10+s2+$0x0], $0xffff;
	(erf) = vrcp.f32 v16  }
0x104: {  	v10 =	vld [tilespmem:s20+$0xFFFFFFD0]  }
0x105: {  	v5 =	vld.idx.msk [tilespmem:v15+s2+$0x0], $0xffff;
	(erf) = vrcp.f32 v13  }
0x106: {  	s22 =	sadd.s32 $0x80, s22;
	v8 =	vld [tilespmem:s20+$0xFFFFFFE0];
	v12 =	vpop (erf)  }
0x107: {  	v11 =	vmul.f32 v12, v11  }
0x108: {  	v62 =	vpop (erf)  }
0x109: {  	(erf) = vrcp.f32 v9;
	v9 =	vld [tilespmem:s20+$0xFFFFFFF0];
	v10 =	vmul.f32 v62, v10  }
0x10a: {  	v7 =	vadd.f32 v11, v7  }
0x10b: {  	(erf) = vrcp.f32 v6;
	v6 =	vld [tilespmem:s20+$0x0];
	v11 =	vpop (erf)  }
0x10c: {  	v7 =	vadd.f32 v10, v7;
	v8 =	vmul.f32 v11, v8  }
0x10d: {  	(erf) = vrcp.f32 v5;
	v10 =	vpop (erf)  }
0x10e: {  	v7 =	vadd.f32 v8, v7;
	v8 =	vmul.f32 v10, v9;
	v9 =	vld [tilespmem:s18+$0xFFFFFFF0]  }
0x10f: {  	v5 =	vld [tilespmem:s20+$0x10];
	v10 =	vpop (erf)  }
0x110: {  	v11 =	vld [tilespmem:s18+$0x0];
	v6 =	vmul.f32 v10, v6;
	v7 =	vadd.f32 v8, v7;
	_ =	sdelay $0x1  }
0x111: {  	v63 =	vld [tilespmem:s24+$0xFFFFFFF0];
	s31 =	sadd.s32 $0x20, s18;
	v6 =	vadd.f32 v6, v7  }
0x112: {  	v13 =	vld [tilespmem:s31+$0xFFFFFFF0];
	v8 =	vpop (erf);
	(erf) = vrcp.f32 v9  }
0x113: {  	v7 =	vld [tilespmem:s23+$0xFFFFFFF0];
	v5 =	vmul.f32 v8, v5  }
0x114: {  	v14 =	vld [tilespmem:s23+$0x0];
	v8 =	vpop (erf);
	(erf) = vrcp.f32 v11  }
0x115: {  	v10 =	vld [tilespmem:s24+$0x0];
	v5 =	vadd.f32 v5, v6;
	v6 =	vpop (erf)  }
0x116: {  	v4 =	vmul.f32 v8, v4;
	v3 =	vmul.f32 v6, v3;
	v6 =	vld [tilespmem:s31+$0x0]  }
0x117: {  	s20 =	simm.s32 $0xB030  }
0x118: {  	s21 =	simm.s32 $0xB0B0;
	(erf) = vrcp.f32 v13;
	v5 =	vadd.f32 v4, v5;
	v4 =	vld [tilespmem:s20+$0x0];
	v8 =	vsub.f32 v63, v7  }
0x119: {  	v7 =	vld [tilespmem:s21+$0xFFFFFFF0]  }
0x11a: {  	s22 =	simm.s32 $0x2;
	s23 =	sadd.s32 $0x20, s31;
	v9 =	vsub.f32 v10, v14;
	v3 =	vadd.f32 v3, v5;
	v5 =	vld [tilespmem:s20+$0xFFFFFFF0];
	v8 =	vmul.f32 v8, v8  }
.LBB2_10:
0x11b: {  	v10 =	vld [tilespmem:s23+$0xFFFFFFF0];
	s22 =	sadd.s32 $0x2, s22;
	(erf) = vrcp.f32 v6;
	v6 =	vpop (erf)  }
0x11c: {  	p1 =	slt.u32 s22, $0x6;
	v11 =	vld [tilespmem:s21+$0x0];
	v8 =	vmul.f32 v6, v8;
	v9 =	vmul.f32 v9, v9  }
.Ltmp6:
0x11d: {  	v6 =	vld [tilespmem:s23+$0x0];
	v12 =	vpop (erf);
	v13 =	vmov v4;
	(pc) =	sbr.rel @p1 .LBB2_10-.Ltmp6, $4  }
0x11e: {  	s20 =	sadd.s32 $0x20, s20;
	v2 =	vadd.f32 v8, v2;
	v8 =	vmul.f32 v12, v9  }
0x11f: {  	v4 =	vld [tilespmem:s20+$0x0];
	v9 =	vsub.f32 v5, v7  }
0x120: {  	s21 =	sadd.s32 $0x20, s21;
	v5 =	vld [tilespmem:s20+$0xFFFFFFF0];
	(erf) = vrcp.f32 v10;
	v2 =	vadd.f32 v8, v2  }
0x121: {  	s23 =	sadd.s32 $0x20, s23;
	v7 =	vld [tilespmem:s21+$0xFFFFFFF0];
	v8 =	vmul.f32 v9, v9;
	v9 =	vsub.f32 v13, v11  }
0x122: {  	(erf) = vrcp.f32 v6  }
0x123: {  	v60 =	vld [tilespmem:s21+$0x0]  }
0x124: {  	v10 =	vpop (erf)  }
0x125: {  	v8 =	vmul.f32 v10, v8  }
0x126: {  	v9 =	vmul.f32 v9, v9;
	v5 =	vsub.f32 v5, v7  }
0x127: {  	v61 =	vpop (erf);
	v2 =	vadd.f32 v8, v2  }
0x128: {  	v7 =	vmul.f32 v61, v9;
	v4 =	vsub.f32 v4, v60;
	v5 =	vmul.f32 v5, v5  }
0x129: {  	v62 =	vpop (erf)  }
0x12a: {  	v2 =	vadd.f32 v7, v2;
	v4 =	vmul.f32 v4, v4;
	v5 =	vmul.f32 v62, v5  }
0x12b: {  	v63 =	vpop (erf)  }
0x12c: {  	v2 =	vadd.f32 v5, v2;
	v4 =	vmul.f32 v63, v4;
	_ =	sdelay $0x1  }
0x12d: {  	v2 =	vadd.f32 v4, v2;
	_ =	sdelay $0x1  }
0x12e: {  	(xrf2) =	vadd.scan.msk.f32 $0xffff, v2  }
0x12f: {  	(xrf2) =	vadd.scan.msk.f32 $0xffff, v3;
	_ =	sdelay $0x8  }
0x130: {  	v2, _, _ =	vpop (xrf2)  }
0x131: {  	v3, _, _ =	vpop (xrf2)  }
0x132: {  	v3 =	vbroadcast v3, $0xF  }
0x133: {  	v2 =	vbroadcast v2, $0xF  }
0x134: {  	v3 =	vnsel vm0, $0x0, v3  }
0x135: {  	v2 =	vsel vm1, v3, v2  }
0x136: {  	[tilespmem:$0xB200] =	vst v2  }
0x137: {  	[spmem:s14] =	stream.linear.scatter [tilespmem:s15], [sflag:$0x3], $0x10, $0x38;
	[tilespmem:$0xC320] =	vst v63  }
.Ltmp7:
0x138: {  	_ =	swait.ge [sflag:s29], $0x10;
	(pc) =	sbr.rel @p0 .LBB2_13-.Ltmp7, $3  }
0x139: {  	[sflag:s29] =	ssyncset.done $0x0  }
0x13a: {  	[sflag:s29] =	ssyncadd.s32 $0xFFFFFFF0  }
0x13b: {  	[bflag:$0x0] =	sbarrier.arrive $0xFFFF;
	_ =	sdelay $0x1  }
0x13c: {  	s20 =	rddreg [dreg:$0x6]  }
0x13d: {  	[tilespmem:s28], [sflag:$0x3] =	stream.linear.gather [spmem:s20], $0x100, $0x38;
	[tilespmem:$0xC320] =	vst v63  }
0x13e: {  	_ =	swait.ge [sflag:s29], $0x100  }
0x13f: {  	[sflag:s29] =	ssyncset.done $0x0  }
0x140: {  	[sflag:s29] =	ssyncadd.s32 $0xFFFFFF00  }
0x141: {  	v2 =	vld [tilespmem:$0xB100];
	_ =	sdelay $0x1  }
0x142: {  	v3 =	vld [tilespmem:$0xB110];
	_ =	sdelay $0x1  }
0x143: {  	v4 =	vld [tilespmem:$0xB120]  }
0x144: {  	v2 =	vadd.f32 $0.0e+00, v2  }
0x145: {  	v5 =	vld [tilespmem:$0xB130]  }
0x146: {  	v2 =	vadd.f32 v3, v2  }
0x147: {  	v3 =	vld [tilespmem:$0xB140]  }
0x148: {  	v2 =	vadd.f32 v4, v2  }
0x149: {  	v56 =	vld [tilespmem:$0xB150]  }
0x14a: {  	v2 =	vadd.f32 v5, v2  }
0x14b: {  	v57 =	vld [tilespmem:$0xB160]  }
0x14c: {  	v2 =	vadd.f32 v3, v2  }
0x14d: {  	v3 =	vld [tilespmem:$0xB170]  }
0x14e: {  	v2 =	vadd.f32 v56, v2  }
0x14f: {  	v58 =	vld [tilespmem:$0xB180]  }
0x150: {  	v2 =	vadd.f32 v57, v2  }
0x151: {  	v59 =	vld [tilespmem:$0xB190]  }
0x152: {  	v2 =	vadd.f32 v3, v2  }
0x153: {  	v3 =	vld [tilespmem:$0xB1A0]  }
0x154: {  	v2 =	vadd.f32 v58, v2  }
0x155: {  	v60 =	vld [tilespmem:$0xB1B0]  }
0x156: {  	v2 =	vadd.f32 v59, v2  }
0x157: {  	v61 =	vld [tilespmem:$0xB1C0]  }
0x158: {  	v2 =	vadd.f32 v3, v2  }
0x159: {  	v3 =	vld [tilespmem:$0xB1D0]  }
0x15a: {  	v2 =	vadd.f32 v60, v2  }
0x15b: {  	v62 =	vld [tilespmem:$0xB1E0]  }
0x15c: {  	v2 =	vadd.f32 v61, v2  }
0x15d: {  	v63 =	vld [tilespmem:$0xB1F0]  }
0x15e: {  	v2 =	vadd.f32 v3, v2;
	_ =	sdelay $0x1  }
0x15f: {  	v2 =	vadd.f32 v62, v2;
	_ =	sdelay $0x1  }
0x160: {  	v2 =	vadd.f32 v63, v2;
	_ =	sdelay $0x1  }
0x161: {  	v3 =	vnsel vm2, $0x0, v2  }
0x162: {  	v2 =	vsel vm3, $0x0, v2;
	(xrf2) =	vadd.scan.msk.f32 $0xffff, v3  }
0x163: {  	(xrf2) =	vadd.scan.msk.f32 $0xffff, v2;
	_ =	sdelay $0x8  }
0x164: {  	v2, _, _ =	vpop (xrf2)  }
0x165: {  	(v2sf) =	vpush v2, $0xF;
	v2, _, _ =	vpop (xrf2)  }
0x166: {  	(v2sf) =	vpush v2, $0xF;
	_ =	sdelay $0xd  }
0x167: {  	s26 =	spop (v2sf)  }
0x168: {  	s21 =	spop (v2sf);
	s20 =	smul.f32 $2.441406250e-04, s26  }
0x169: {  	s21 =	smul.f32 $2.438964880e-04, s21;
	_ =	sdelay $0x1  }
0x16a: {  	s22 =	sadd.f32 s21, s20;
	_ =	sdelay $0x1  }
0x16b: {  	v2 =	vmov s22  }
0x16c: {  	v2 =	vnsel vm4, $0x0, v2  }
0x16d: {  	v2 =	vsel vm0, s20, v2  }
0x16e: {  	v2 =	vsel vm5, s21, v2  }
.Ltmp8:
0x16f: {  	s31 =	rddreg [dreg:$0x8];
	[tilespmem:$0xB200] =	vst v2;
	(pc) =	sbr.rel .LBB2_13-.Ltmp8, $4  }
0x170: {  	[hbm4b:s31+s3] =	stream.linear.scatter [tilespmem:s15], [sflag:$0x3], $0x10, $0x38;
	[tilespmem:$0xC320] =	vst v63  }
0x171: {  	_ =	swait.ge [sflag:s29], $0x10  }
0x172: {  	[sflag:s29] =	ssyncset.done $0x0  }
0x173: {  	[sflag:s29] =	ssyncadd.s32 $0xFFFFFFF0  }
.LBB2_14:
0x174: {  	_ =	sfence.sel $0x180000  }
0x175: {  	[bflag:$0x0] =	sbarrier.arrive $0xFFFF  }
0x176: {  	_ =	strace $0x90000047  }
0x177: {  	[bflag:$0x2] =	sbarrier.arrive $0xFFFF  }
0x178: {  	s0 =	rddreg [dreg:$0x7]  }
0x179: {  	s0 =	sadd.s32 @!p0 $0x100000, s0  }
0x17a: {  	[sflag:s0] =	ssyncadd.tile.s32 @!p0 $0x1;
	_ =	shalt  }
.Lfunc_end2:
_tile_overlayer_lowered:
.L_overlay_start_2:
0x17b: {  	(tag) =	ssettag $0x2  }
0x17c: {  	s0 =	rddreg [dreg:$0x0];
	s2 =	stileid.u32  }
0x17d: {  	s1 =	rddreg [dreg:$0x1];
	p0 =	sne.s32 s2, $0x0  }
0x17e: {  	s3 =	rddreg [dreg:$0x2];
	[bflag:$0x3] =	sbarrier.arrive $0xFFFF;
	s2 =	simm.s32 @!p0 $0x1C03  }
0x17f: {  	[timem:s3], [sflag:s2] =	dma.local @!p0 [hbm:s0], s1  }
0x180: {  	s0 =	simm.s32 @!p0 $0x3  }
0x181: {  	_ =	swait.ge @!p0 [sflag:s0], s1  }
0x182: {  	s1 =	ssub.s32 @!p0 $0x0, s1;
	[sflag:s0] =	ssyncset.done @!p0 $0x0  }
0x183: {  	[sflag:s0] =	ssyncadd.s32 @!p0 s1  }
0x184: {  	[bflag:$0x3] =	sbarrier.arrive $0xFFFF  }
0x185: {  	_ =	shalt  }

</sc_bundles>
